<compile_context>
chip_gen: v7x
topology: tpu7x:2x2x1
jax: 0.10.2.dev20260603
libtpu: 0.0.44.dev20260713+nightly
codegen_flags: <defaults>
</compile_context>

<pallas_src>
import jax
import jax.numpy as jnp
from jax import lax
from jax.experimental import pallas as pl
from jax.experimental.pallas import tpu as pltpu
from jax.experimental.pallas import tpu_sc as plsc

N_NODES = 10000
D_IN = 128
D_OUT = 128
N_EDGES = 320000

NC = 2
NS = 16
NW = NC * NS
LANE = 128
N_CHUNKS = N_EDGES // LANE
BASE_CHUNKS = N_CHUNKS // NW
EXTRA = N_CHUNKS - BASE_CHUNKS * NW
MAX_CHUNKS = BASE_CHUNKS + 1
BINS_PAD = 10240
SLICE = BINS_PAD // NS


def _sc_hist_body(row_hbm, out_hbm, idx_v, ones_v, buf_v, shared, sem):
    c = lax.axis_index("c")
    s = lax.axis_index("s")
    wid = c * NS + s
    n_chunks = BASE_CHUNKS + jnp.where(wid < EXTRA, 1, 0)
    for i in range(LANE // 16):
        ones_v[pl.ds(i * 16, 16)] = jnp.ones((16,), jnp.float32)
    for i in range(SLICE // 16):
        buf_v[pl.ds(i * 16, 16)] = jnp.zeros((16,), jnp.float32)
    pltpu.sync_copy(buf_v, shared.at[pl.ds(s * SLICE, SLICE)])

    def load(k, carry):
        pltpu.async_copy(row_hbm.at[0, pl.ds((wid + k * NW) * LANE, LANE)],
                         idx_v.at[k], sem)
        return carry

    lax.fori_loop(0, n_chunks, load, 0)

    def load_drain(k, carry):
        pltpu.make_async_copy(row_hbm.at[0, pl.ds(0, LANE)], idx_v.at[0],
                              sem).wait()
        return carry

    lax.fori_loop(0, n_chunks, load_drain, 0)
    plsc.subcore_barrier()

    def fire(j, carry):
        pltpu.async_copy(ones_v, shared.at[idx_v.at[j]], sem, add=True)
        return carry

    lax.fori_loop(0, n_chunks, fire, 0)

    def drain(j, carry):
        pltpu.make_async_copy(ones_v, shared.at[idx_v.at[j]], sem).wait()
        return carry

    lax.fori_loop(0, n_chunks, drain, 0)
    plsc.subcore_barrier()
    pltpu.sync_copy(shared.at[pl.ds(s * SLICE, SLICE)], buf_v)
    pltpu.sync_copy(buf_v, out_hbm.at[c, pl.ds(s * SLICE, SLICE)])


_sc_hist = pl.kernel(
    _sc_hist_body,
    mesh=plsc.VectorSubcoreMesh(core_axis_name="c", subcore_axis_name="s"),
    out_type=jax.ShapeDtypeStruct((NC, BINS_PAD), jnp.float32),
    scratch_types=[
        pltpu.VMEM((MAX_CHUNKS, LANE), jnp.int32),
        pltpu.VMEM((LANE,), jnp.float32),
        pltpu.VMEM((SLICE,), jnp.float32),
        pltpu.VMEM_SHARED((BINS_PAD,), jnp.float32),
        pltpu.SemaphoreType.DMA,
    ],
)


def _tc_body(x_ref, pm_ref, w_ref, c_ref, o_ref):
    t = jnp.dot(x_ref[...], pm_ref[...], preferred_element_type=jnp.float32)
    t = jnp.dot(t, w_ref[...], preferred_element_type=jnp.float32)
    cnt = c_ref[...]
    total = cnt[0:1, :] + cnt[1:2, :]
    mask = jnp.transpose(total)
    o_ref[...] = jnp.where(mask > 0.0, t, 0.0)


_BLK = 2048

_tc_matmul = pl.pallas_call(
    _tc_body,
    grid=(pl.cdiv(N_NODES, _BLK),),
    in_specs=[
        pl.BlockSpec((_BLK, D_IN), lambda i: (i, 0)),
        pl.BlockSpec((D_IN, D_IN), lambda i: (0, 0)),
        pl.BlockSpec((D_IN, D_OUT), lambda i: (0, 0)),
        pl.BlockSpec((NC, _BLK), lambda i: (0, i)),
    ],
    out_specs=pl.BlockSpec((_BLK, D_OUT), lambda i: (i, 0)),
    out_shape=jax.ShapeDtypeStruct((N_NODES, D_OUT), jnp.float32),
)


def kernel(x, edge_index, perm_matrix, weight):
    ei = edge_index.astype(jnp.int32)
    cc = _sc_hist(ei)
    return _tc_matmul(x, perm_matrix, weight, cc)

# --- scband reference (transcript-rebuilt; emitter-appended) ---
"""Pipeline reference for scband-custom-sageconv-31069793419677 (READ-ONLY COPY).

The authoritative reference and input builder live on the scoring server;
editing this copy changes nothing except your own understanding.
"""

import jax, jax.numpy as jnp
import numpy as np

N_NODES = 10000
D_IN = 128
D_OUT = 128
N_EDGES = 320000


def setup_inputs(seed: int = 0) -> dict:
    key = jax.random.key(seed)
    k1, k2, k3 = jax.random.split(key, 3)
    x = jax.random.normal(k1, (N_NODES, D_IN), dtype=jnp.float32)
    edge_index = jax.random.randint(k2, (2, N_EDGES), 0, N_NODES, dtype=jnp.int64)
    # module's LearnablePermutation parameter: initialized to identity
    perm_matrix = jnp.eye(D_IN, dtype=jnp.float32)
    # xavier_uniform init for weight [D_IN, D_OUT]
    limit = float(np.sqrt(6.0 / (D_IN + D_OUT)))
    weight = jax.random.uniform(k3, (D_IN, D_OUT), minval=-limit, maxval=limit, dtype=jnp.float32)
    return {"x": x, "edge_index": edge_index, "perm_matrix": perm_matrix, "weight": weight}


def reference(x, edge_index, perm_matrix, weight):
    # permuted_x = x @ module perm matrix
    permuted_x = jnp.matmul(x, perm_matrix)
    row = edge_index[0]
    # scatter_reduce_with_permutation(permuted_x, row, 'mean')
    # NOTE: the torch code instantiates a FRESH LearnablePermutation inside the
    # function, initialized to identity -> multiply by eye (faithful).
    num_nodes = permuted_x.shape[0]
    in_features = permuted_x.shape[1]
    inner_perm = jnp.eye(in_features, dtype=jnp.float32)
    permuted_src = jnp.matmul(permuted_x, inner_perm)
    # gather by row, then index_add back at row
    gathered = jnp.take(permuted_src, row, axis=0)
    result = jnp.zeros((num_nodes, in_features), dtype=jnp.float32).at[row].add(gathered)
    counts = jnp.bincount(row, length=num_nodes)
    result = result / jnp.clip(counts, 1, None)[:, None].astype(jnp.float32)
    out = jnp.matmul(result, weight)
    return out

if __name__ == "__main__":
    import jax
    _d = setup_inputs()
    print(jax.jit(kernel)(*tuple(_d.values())))

</pallas_src>

<mosaic_0001>
#map = affine_map<(d0, d1) -> (0, 0)>
module attributes {stable_mosaic.version = 14 : i64} {
  func.func @_sc_hist_body(%arg0: i32, %arg1: i32, %arg2: memref<2x320000xi32, #tpu.memory_space<hbm>>, %arg3: memref<2x10240xf32, #tpu.memory_space<hbm>>, %arg4: memref<79x128xi32, #tpu.memory_space<vmem>>, %arg5: memref<128xf32, #tpu.memory_space<vmem>>, %arg6: memref<640xf32, #tpu.memory_space<vmem>>, %arg7: memref<10240xf32, #tpu.memory_space<vmem_shared>>, %arg8: memref<!tpu.dma_semaphore, #tpu.memory_space<semaphore_mem>>) attributes {dimension_semantics = [#tpu.dimension_semantics<core_parallel>, #tpu.dimension_semantics<subcore_parallel>], iteration_bounds = array<i64: 2, 16>, scalar_prefetch = 0 : i64, scratch_operands = 5 : i64, tpu.core_type = #tpu.core_type<sc_vector_subcore>, window_params = [{transform_indices = #map}, {transform_indices = #map}]} {
    %mul3A = arith.constant 16 : i32
    %mul3A_0 = arith.muli %arg0, %mul3A : i32
    %add3A = arith.addi %mul3A_0, %arg1 : i32
    %lt3A = arith.constant 4 : i32
    %lt3A_1 = arith.cmpi slt, %add3A, %lt3A : i32
    %jit3A = arith.constant 1 : i32
    %jit3A_2 = arith.constant 0 : i32
    %select_n3A = arith.select %lt3A_1, %jit3A, %jit3A_2 : i32
    %add3A_3 = arith.constant 78 : i32
    %add3A_4 = arith.addi %add3A_3, %select_n3A : i32
    %broadcast_in_dim3A = arith.constant 1.000000e+00 : f32
    %broadcast_in_dim3A_5 = vector.broadcast %broadcast_in_dim3A : f32 to vector<16xf32>
    %swap3A = arith.constant 0 : index
    %swap3A_6 = tpu.vector_load %arg5[%swap3A] {strides = array<i32>} : memref<128xf32, #tpu.memory_space<vmem>>, vector<16xf32>,
    %swap3A_7 = vector.shape_cast %swap3A_6 : vector<16xf32> to vector<16xf32>
    %swap3A_8 = vector.shape_cast %broadcast_in_dim3A_5 : vector<16xf32> to vector<16xf32>
    tpu.vector_store %arg5[%swap3A], %swap3A_8 {strides = array<i32>} : memref<128xf32, #tpu.memory_space<vmem>>, vector<16xf32>,
    %broadcast_in_dim3A_9 = arith.constant 1.000000e+00 : f32
    %broadcast_in_dim3A_10 = vector.broadcast %broadcast_in_dim3A_9 : f32 to vector<16xf32>
    %swap3A_11 = arith.constant 16 : index
    %swap3A_12 = tpu.vector_load %arg5[%swap3A_11] {strides = array<i32>} : memref<128xf32, #tpu.memory_space<vmem>>, vector<16xf32>,
    %swap3A_13 = vector.shape_cast %swap3A_12 : vector<16xf32> to vector<16xf32>
    %swap3A_14 = vector.shape_cast %broadcast_in_dim3A_10 : vector<16xf32> to vector<16xf32>
    tpu.vector_store %arg5[%swap3A_11], %swap3A_14 {strides = array<i32>} : memref<128xf32, #tpu.memory_space<vmem>>, vector<16xf32>,
    %broadcast_in_dim3A_15 = arith.constant 1.000000e+00 : f32
    %broadcast_in_dim3A_16 = vector.broadcast %broadcast_in_dim3A_15 : f32 to vector<16xf32>
    %swap3A_17 = arith.constant 32 : index
    %swap3A_18 = tpu.vector_load %arg5[%swap3A_17] {strides = array<i32>} : memref<128xf32, #tpu.memory_space<vmem>>, vector<16xf32>,
    %swap3A_19 = vector.shape_cast %swap3A_18 : vector<16xf32> to vector<16xf32>
    %swap3A_20 = vector.shape_cast %broadcast_in_dim3A_16 : vector<16xf32> to vector<16xf32>
    tpu.vector_store %arg5[%swap3A_17], %swap3A_20 {strides = array<i32>} : memref<128xf32, #tpu.memory_space<vmem>>, vector<16xf32>,
    %broadcast_in_dim3A_21 = arith.constant 1.000000e+00 : f32
    %broadcast_in_dim3A_22 = vector.broadcast %broadcast_in_dim3A_21 : f32 to vector<16xf32>
    %swap3A_23 = arith.constant 48 : index
    %swap3A_24 = tpu.vector_load %arg5[%swap3A_23] {strides = array<i32>} : memref<128xf32, #tpu.memory_space<vmem>>, vector<16xf32>,
    %swap3A_25 = vector.shape_cast %swap3A_24 : vector<16xf32> to vector<16xf32>
    %swap3A_26 = vector.shape_cast %broadcast_in_dim3A_22 : vector<16xf32> to vector<16xf32>
    tpu.vector_store %arg5[%swap3A_23], %swap3A_26 {strides = array<i32>} : memref<128xf32, #tpu.memory_space<vmem>>, vector<16xf32>,
    %broadcast_in_dim3A_27 = arith.constant 1.000000e+00 : f32
    %broadcast_in_dim3A_28 = vector.broadcast %broadcast_in_dim3A_27 : f32 to vector<16xf32>
    %swap3A_29 = arith.constant 64 : index
    %swap3A_30 = tpu.vector_load %arg5[%swap3A_29] {strides = array<i32>} : memref<128xf32, #tpu.memory_space<vmem>>, vector<16xf32>,
    %swap3A_31 = vector.shape_cast %swap3A_30 : vector<16xf32> to vector<16xf32>
    %swap3A_32 = vector.shape_cast %broadcast_in_dim3A_28 : vector<16xf32> to vector<16xf32>
    tpu.vector_store %arg5[%swap3A_29], %swap3A_32 {strides = array<i32>} : memref<128xf32, #tpu.memory_space<vmem>>, vector<16xf32>,
    %broadcast_in_dim3A_33 = arith.constant 1.000000e+00 : f32
    %broadcast_in_dim3A_34 = vector.broadcast %broadcast_in_dim3A_33 : f32 to vector<16xf32>
    %swap3A_35 = arith.constant 80 : index
    %swap3A_36 = tpu.vector_load %arg5[%swap3A_35] {strides = array<i32>} : memref<128xf32, #tpu.memory_space<vmem>>, vector<16xf32>,
    %swap3A_37 = vector.shape_cast %swap3A_36 : vector<16xf32> to vector<16xf32>
    %swap3A_38 = vector.shape_cast %broadcast_in_dim3A_34 : vector<16xf32> to vector<16xf32>
    tpu.vector_store %arg5[%swap3A_35], %swap3A_38 {strides = array<i32>} : memref<128xf32, #tpu.memory_space<vmem>>, vector<16xf32>,
    %broadcast_in_dim3A_39 = arith.constant 1.000000e+00 : f32
    %broadcast_in_dim3A_40 = vector.broadcast %broadcast_in_dim3A_39 : f32 to vector<16xf32>
    %swap3A_41 = arith.constant 96 : index
    %swap3A_42 = tpu.vector_load %arg5[%swap3A_41] {strides = array<i32>} : memref<128xf32, #tpu.memory_space<vmem>>, vector<16xf32>,
    %swap3A_43 = vector.shape_cast %swap3A_42 : vector<16xf32> to vector<16xf32>
    %swap3A_44 = vector.shape_cast %broadcast_in_dim3A_40 : vector<16xf32> to vector<16xf32>
    tpu.vector_store %arg5[%swap3A_41], %swap3A_44 {strides = array<i32>} : memref<128xf32, #tpu.memory_space<vmem>>, vector<16xf32>,
    %broadcast_in_dim3A_45 = arith.constant 1.000000e+00 : f32
    %broadcast_in_dim3A_46 = vector.broadcast %broadcast_in_dim3A_45 : f32 to vector<16xf32>
    %swap3A_47 = arith.constant 112 : index
    %swap3A_48 = tpu.vector_load %arg5[%swap3A_47] {strides = array<i32>} : memref<128xf32, #tpu.memory_space<vmem>>, vector<16xf32>,
    %swap3A_49 = vector.shape_cast %swap3A_48 : vector<16xf32> to vector<16xf32>
    %swap3A_50 = vector.shape_cast %broadcast_in_dim3A_46 : vector<16xf32> to vector<16xf32>
    tpu.vector_store %arg5[%swap3A_47], %swap3A_50 {strides = array<i32>} : memref<128xf32, #tpu.memory_space<vmem>>, vector<16xf32>,
    %broadcast_in_dim3A_51 = arith.constant 0.000000e+00 : f32
    %broadcast_in_dim3A_52 = vector.broadcast %broadcast_in_dim3A_51 : f32 to vector<16xf32>
    %swap3A_53 = arith.constant 0 : index
    %swap3A_54 = tpu.vector_load %arg6[%swap3A_53] {strides = array<i32>} : memref<640xf32, #tpu.memory_space<vmem>>, vector<16xf32>,
    %swap3A_55 = vector.shape_cast %swap3A_54 : vector<16xf32> to vector<16xf32>
    %swap3A_56 = vector.shape_cast %broadcast_in_dim3A_52 : vector<16xf32> to vector<16xf32>
    tpu.vector_store %arg6[%swap3A_53], %swap3A_56 {strides = array<i32>} : memref<640xf32, #tpu.memory_space<vmem>>, vector<16xf32>,
    %broadcast_in_dim3A_57 = arith.constant 0.000000e+00 : f32
    %broadcast_in_dim3A_58 = vector.broadcast %broadcast_in_dim3A_57 : f32 to vector<16xf32>
    %swap3A_59 = arith.constant 16 : index
    %swap3A_60 = tpu.vector_load %arg6[%swap3A_59] {strides = array<i32>} : memref<640xf32, #tpu.memory_space<vmem>>, vector<16xf32>,
    %swap3A_61 = vector.shape_cast %swap3A_60 : vector<16xf32> to vector<16xf32>
    %swap3A_62 = vector.shape_cast %broadcast_in_dim3A_58 : vector<16xf32> to vector<16xf32>
    tpu.vector_store %arg6[%swap3A_59], %swap3A_62 {strides = array<i32>} : memref<640xf32, #tpu.memory_space<vmem>>, vector<16xf32>,
    %broadcast_in_dim3A_63 = arith.constant 0.000000e+00 : f32
    %broadcast_in_dim3A_64 = vector.broadcast %broadcast_in_dim3A_63 : f32 to vector<16xf32>
    %swap3A_65 = arith.constant 32 : index
    %swap3A_66 = tpu.vector_load %arg6[%swap3A_65] {strides = array<i32>} : memref<640xf32, #tpu.memory_space<vmem>>, vector<16xf32>,
    %swap3A_67 = vector.shape_cast %swap3A_66 : vector<16xf32> to vector<16xf32>
    %swap3A_68 = vector.shape_cast %broadcast_in_dim3A_64 : vector<16xf32> to vector<16xf32>
    tpu.vector_store %arg6[%swap3A_65], %swap3A_68 {strides = array<i32>} : memref<640xf32, #tpu.memory_space<vmem>>, vector<16xf32>,
    %broadcast_in_dim3A_69 = arith.constant 0.000000e+00 : f32
    %broadcast_in_dim3A_70 = vector.broadcast %broadcast_in_dim3A_69 : f32 to vector<16xf32>
    %swap3A_71 = arith.constant 48 : index
    %swap3A_72 = tpu.vector_load %arg6[%swap3A_71] {strides = array<i32>} : memref<640xf32, #tpu.memory_space<vmem>>, vector<16xf32>,
    %swap3A_73 = vector.shape_cast %swap3A_72 : vector<16xf32> to vector<16xf32>
    %swap3A_74 = vector.shape_cast %broadcast_in_dim3A_70 : vector<16xf32> to vector<16xf32>
    tpu.vector_store %arg6[%swap3A_71], %swap3A_74 {strides = array<i32>} : memref<640xf32, #tpu.memory_space<vmem>>, vector<16xf32>,
    %broadcast_in_dim3A_75 = arith.constant 0.000000e+00 : f32
    %broadcast_in_dim3A_76 = vector.broadcast %broadcast_in_dim3A_75 : f32 to vector<16xf32>
    %swap3A_77 = arith.constant 64 : index
    %swap3A_78 = tpu.vector_load %arg6[%swap3A_77] {strides = array<i32>} : memref<640xf32, #tpu.memory_space<vmem>>, vector<16xf32>,
    %swap3A_79 = vector.shape_cast %swap3A_78 : vector<16xf32> to vector<16xf32>
    %swap3A_80 = vector.shape_cast %broadcast_in_dim3A_76 : vector<16xf32> to vector<16xf32>
    tpu.vector_store %arg6[%swap3A_77], %swap3A_80 {strides = array<i32>} : memref<640xf32, #tpu.memory_space<vmem>>, vector<16xf32>,
    %broadcast_in_dim3A_81 = arith.constant 0.000000e+00 : f32
    %broadcast_in_dim3A_82 = vector.broadcast %broadcast_in_dim3A_81 : f32 to vector<16xf32>
    %swap3A_83 = arith.constant 80 : index
    %swap3A_84 = tpu.vector_load %arg6[%swap3A_83] {strides = array<i32>} : memref<640xf32, #tpu.memory_space<vmem>>, vector<16xf32>,
    %swap3A_85 = vector.shape_cast %swap3A_84 : vector<16xf32> to vector<16xf32>
    %swap3A_86 = vector.shape_cast %broadcast_in_dim3A_82 : vector<16xf32> to vector<16xf32>
    tpu.vector_store %arg6[%swap3A_83], %swap3A_86 {strides = array<i32>} : memref<640xf32, #tpu.memory_space<vmem>>, vector<16xf32>,
    %broadcast_in_dim3A_87 = arith.constant 0.000000e+00 : f32
    %broadcast_in_dim3A_88 = vector.broadcast %broadcast_in_dim3A_87 : f32 to vector<16xf32>
    %swap3A_89 = arith.constant 96 : index
    %swap3A_90 = tpu.vector_load %arg6[%swap3A_89] {strides = array<i32>} : memref<640xf32, #tpu.memory_space<vmem>>, vector<16xf32>,
    %swap3A_91 = vector.shape_cast %swap3A_90 : vector<16xf32> to vector<16xf32>
    %swap3A_92 = vector.shape_cast %broadcast_in_dim3A_88 : vector<16xf32> to vector<16xf32>
    tpu.vector_store %arg6[%swap3A_89], %swap3A_92 {strides = array<i32>} : memref<640xf32, #tpu.memory_space<vmem>>, vector<16xf32>,
    %broadcast_in_dim3A_93 = arith.constant 0.000000e+00 : f32
    %broadcast_in_dim3A_94 = vector.broadcast %broadcast_in_dim3A_93 : f32 to vector<16xf32>
    %swap3A_95 = arith.constant 112 : index
    %swap3A_96 = tpu.vector_load %arg6[%swap3A_95] {strides = array<i32>} : memref<640xf32, #tpu.memory_space<vmem>>, vector<16xf32>,
    %swap3A_97 = vector.shape_cast %swap3A_96 : vector<16xf32> to vector<16xf32>
    %swap3A_98 = vector.shape_cast %broadcast_in_dim3A_94 : vector<16xf32> to vector<16xf32>
    tpu.vector_store %arg6[%swap3A_95], %swap3A_98 {strides = array<i32>} : memref<640xf32, #tpu.memory_space<vmem>>, vector<16xf32>,
    %broadcast_in_dim3A_99 = arith.constant 0.000000e+00 : f32
    %broadcast_in_dim3A_100 = vector.broadcast %broadcast_in_dim3A_99 : f32 to vector<16xf32>
    %swap3A_101 = arith.constant 128 : index
    %swap3A_102 = tpu.vector_load %arg6[%swap3A_101] {strides = array<i32>} : memref<640xf32, #tpu.memory_space<vmem>>, vector<16xf32>,
    %swap3A_103 = vector.shape_cast %swap3A_102 : vector<16xf32> to vector<16xf32>
    %swap3A_104 = vector.shape_cast %broadcast_in_dim3A_100 : vector<16xf32> to vector<16xf32>
    tpu.vector_store %arg6[%swap3A_101], %swap3A_104 {strides = array<i32>} : memref<640xf32, #tpu.memory_space<vmem>>, vector<16xf32>,
    %broadcast_in_dim3A_105 = arith.constant 0.000000e+00 : f32
    %broadcast_in_dim3A_106 = vector.broadcast %broadcast_in_dim3A_105 : f32 to vector<16xf32>
    %swap3A_107 = arith.constant 144 : index
    %swap3A_108 = tpu.vector_load %arg6[%swap3A_107] {strides = array<i32>} : memref<640xf32, #tpu.memory_space<vmem>>, vector<16xf32>,
    %swap3A_109 = vector.shape_cast %swap3A_108 : vector<16xf32> to vector<16xf32>
    %swap3A_110 = vector.shape_cast %broadcast_in_dim3A_106 : vector<16xf32> to vector<16xf32>
    tpu.vector_store %arg6[%swap3A_107], %swap3A_110 {strides = array<i32>} : memref<640xf32, #tpu.memory_space<vmem>>, vector<16xf32>,
    %broadcast_in_dim3A_111 = arith.constant 0.000000e+00 : f32
    %broadcast_in_dim3A_112 = vector.broadcast %broadcast_in_dim3A_111 : f32 to vector<16xf32>
    %swap3A_113 = arith.constant 160 : index
    %swap3A_114 = tpu.vector_load %arg6[%swap3A_113] {strides = array<i32>} : memref<640xf32, #tpu.memory_space<vmem>>, vector<16xf32>,
    %swap3A_115 = vector.shape_cast %swap3A_114 : vector<16xf32> to vector<16xf32>
    %swap3A_116 = vector.shape_cast %broadcast_in_dim3A_112 : vector<16xf32> to vector<16xf32>
    tpu.vector_store %arg6[%swap3A_113], %swap3A_116 {strides = array<i32>} : memref<640xf32, #tpu.memory_space<vmem>>, vector<16xf32>,
    %broadcast_in_dim3A_117 = arith.constant 0.000000e+00 : f32
    %broadcast_in_dim3A_118 = vector.broadcast %broadcast_in_dim3A_117 : f32 to vector<16xf32>
    %swap3A_119 = arith.constant 176 : index
    %swap3A_120 = tpu.vector_load %arg6[%swap3A_119] {strides = array<i32>} : memref<640xf32, #tpu.memory_space<vmem>>, vector<16xf32>,
    %swap3A_121 = vector.shape_cast %swap3A_120 : vector<16xf32> to vector<16xf32>
    %swap3A_122 = vector.shape_cast %broadcast_in_dim3A_118 : vector<16xf32> to vector<16xf32>
    tpu.vector_store %arg6[%swap3A_119], %swap3A_122 {strides = array<i32>} : memref<640xf32, #tpu.memory_space<vmem>>, vector<16xf32>,
    %broadcast_in_dim3A_123 = arith.constant 0.000000e+00 : f32
    %broadcast_in_dim3A_124 = vector.broadcast %broadcast_in_dim3A_123 : f32 to vector<16xf32>
    %swap3A_125 = arith.constant 192 : index
    %swap3A_126 = tpu.vector_load %arg6[%swap3A_125] {strides = array<i32>} : memref<640xf32, #tpu.memory_space<vmem>>, vector<16xf32>,
    %swap3A_127 = vector.shape_cast %swap3A_126 : vector<16xf32> to vector<16xf32>
    %swap3A_128 = vector.shape_cast %broadcast_in_dim3A_124 : vector<16xf32> to vector<16xf32>
    tpu.vector_store %arg6[%swap3A_125], %swap3A_128 {strides = array<i32>} : memref<640xf32, #tpu.memory_space<vmem>>, vector<16xf32>,
    %broadcast_in_dim3A_129 = arith.constant 0.000000e+00 : f32
    %broadcast_in_dim3A_130 = vector.broadcast %broadcast_in_dim3A_129 : f32 to vector<16xf32>
    %swap3A_131 = arith.constant 208 : index
    %swap3A_132 = tpu.vector_load %arg6[%swap3A_131] {strides = array<i32>} : memref<640xf32, #tpu.memory_space<vmem>>, vector<16xf32>,
    %swap3A_133 = vector.shape_cast %swap3A_132 : vector<16xf32> to vector<16xf32>
    %swap3A_134 = vector.shape_cast %broadcast_in_dim3A_130 : vector<16xf32> to vector<16xf32>
    tpu.vector_store %arg6[%swap3A_131], %swap3A_134 {strides = array<i32>} : memref<640xf32, #tpu.memory_space<vmem>>, vector<16xf32>,
    %broadcast_in_dim3A_135 = arith.constant 0.000000e+00 : f32
    %broadcast_in_dim3A_136 = vector.broadcast %broadcast_in_dim3A_135 : f32 to vector<16xf32>
    %swap3A_137 = arith.constant 224 : index
    %swap3A_138 = tpu.vector_load %arg6[%swap3A_137] {strides = array<i32>} : memref<640xf32, #tpu.memory_space<vmem>>, vector<16xf32>,
    %swap3A_139 = vector.shape_cast %swap3A_138 : vector<16xf32> to vector<16xf32>
    %swap3A_140 = vector.shape_cast %broadcast_in_dim3A_136 : vector<16xf32> to vector<16xf32>
    tpu.vector_store %arg6[%swap3A_137], %swap3A_140 {strides = array<i32>} : memref<640xf32, #tpu.memory_space<vmem>>, vector<16xf32>,
    %broadcast_in_dim3A_141 = arith.constant 0.000000e+00 : f32
    %broadcast_in_dim3A_142 = vector.broadcast %broadcast_in_dim3A_141 : f32 to vector<16xf32>
    %swap3A_143 = arith.constant 240 : index
    %swap3A_144 = tpu.vector_load %arg6[%swap3A_143] {strides = array<i32>} : memref<640xf32, #tpu.memory_space<vmem>>, vector<16xf32>,
    %swap3A_145 = vector.shape_cast %swap3A_144 : vector<16xf32> to vector<16xf32>
    %swap3A_146 = vector.shape_cast %broadcast_in_dim3A_142 : vector<16xf32> to vector<16xf32>
    tpu.vector_store %arg6[%swap3A_143], %swap3A_146 {strides = array<i32>} : memref<640xf32, #tpu.memory_space<vmem>>, vector<16xf32>,
    %broadcast_in_dim3A_147 = arith.constant 0.000000e+00 : f32
    %broadcast_in_dim3A_148 = vector.broadcast %broadcast_in_dim3A_147 : f32 to vector<16xf32>
    %swap3A_149 = arith.constant 256 : index
    %swap3A_150 = tpu.vector_load %arg6[%swap3A_149] {strides = array<i32>} : memref<640xf32, #tpu.memory_space<vmem>>, vector<16xf32>,
    %swap3A_151 = vector.shape_cast %swap3A_150 : vector<16xf32> to vector<16xf32>
    %swap3A_152 = vector.shape_cast %broadcast_in_dim3A_148 : vector<16xf32> to vector<16xf32>
    tpu.vector_store %arg6[%swap3A_149], %swap3A_152 {strides = array<i32>} : memref<640xf32, #tpu.memory_space<vmem>>, vector<16xf32>,
    %broadcast_in_dim3A_153 = arith.constant 0.000000e+00 : f32
    %broadcast_in_dim3A_154 = vector.broadcast %broadcast_in_dim3A_153 : f32 to vector<16xf32>
    %swap3A_155 = arith.constant 272 : index
    %swap3A_156 = tpu.vector_load %arg6[%swap3A_155] {strides = array<i32>} : memref<640xf32, #tpu.memory_space<vmem>>, vector<16xf32>,
    %swap3A_157 = vector.shape_cast %swap3A_156 : vector<16xf32> to vector<16xf32>
    %swap3A_158 = vector.shape_cast %broadcast_in_dim3A_154 : vector<16xf32> to vector<16xf32>
    tpu.vector_store %arg6[%swap3A_155], %swap3A_158 {strides = array<i32>} : memref<640xf32, #tpu.memory_space<vmem>>, vector<16xf32>,
    %broadcast_in_dim3A_159 = arith.constant 0.000000e+00 : f32
    %broadcast_in_dim3A_160 = vector.broadcast %broadcast_in_dim3A_159 : f32 to vector<16xf32>
    %swap3A_161 = arith.constant 288 : index
    %swap3A_162 = tpu.vector_load %arg6[%swap3A_161] {strides = array<i32>} : memref<640xf32, #tpu.memory_space<vmem>>, vector<16xf32>,
    %swap3A_163 = vector.shape_cast %swap3A_162 : vector<16xf32> to vector<16xf32>
    %swap3A_164 = vector.shape_cast %broadcast_in_dim3A_160 : vector<16xf32> to vector<16xf32>
    tpu.vector_store %arg6[%swap3A_161], %swap3A_164 {strides = array<i32>} : memref<640xf32, #tpu.memory_space<vmem>>, vector<16xf32>,
    %broadcast_in_dim3A_165 = arith.constant 0.000000e+00 : f32
    %broadcast_in_dim3A_166 = vector.broadcast %broadcast_in_dim3A_165 : f32 to vector<16xf32>
    %swap3A_167 = arith.constant 304 : index
    %swap3A_168 = tpu.vector_load %arg6[%swap3A_167] {strides = array<i32>} : memref<640xf32, #tpu.memory_space<vmem>>, vector<16xf32>,
    %swap3A_169 = vector.shape_cast %swap3A_168 : vector<16xf32> to vector<16xf32>
    %swap3A_170 = vector.shape_cast %broadcast_in_dim3A_166 : vector<16xf32> to vector<16xf32>
    tpu.vector_store %arg6[%swap3A_167], %swap3A_170 {strides = array<i32>} : memref<640xf32, #tpu.memory_space<vmem>>, vector<16xf32>,
    %broadcast_in_dim3A_171 = arith.constant 0.000000e+00 : f32
    %broadcast_in_dim3A_172 = vector.broadcast %broadcast_in_dim3A_171 : f32 to vector<16xf32>
    %swap3A_173 = arith.constant 320 : index
    %swap3A_174 = tpu.vector_load %arg6[%swap3A_173] {strides = array<i32>} : memref<640xf32, #tpu.memory_space<vmem>>, vector<16xf32>,
    %swap3A_175 = vector.shape_cast %swap3A_174 : vector<16xf32> to vector<16xf32>
    %swap3A_176 = vector.shape_cast %broadcast_in_dim3A_172 : vector<16xf32> to vector<16xf32>
    tpu.vector_store %arg6[%swap3A_173], %swap3A_176 {strides = array<i32>} : memref<640xf32, #tpu.memory_space<vmem>>, vector<16xf32>,
    %broadcast_in_dim3A_177 = arith.constant 0.000000e+00 : f32
    %broadcast_in_dim3A_178 = vector.broadcast %broadcast_in_dim3A_177 : f32 to vector<16xf32>
    %swap3A_179 = arith.constant 336 : index
    %swap3A_180 = tpu.vector_load %arg6[%swap3A_179] {strides = array<i32>} : memref<640xf32, #tpu.memory_space<vmem>>, vector<16xf32>,
    %swap3A_181 = vector.shape_cast %swap3A_180 : vector<16xf32> to vector<16xf32>
    %swap3A_182 = vector.shape_cast %broadcast_in_dim3A_178 : vector<16xf32> to vector<16xf32>
    tpu.vector_store %arg6[%swap3A_179], %swap3A_182 {strides = array<i32>} : memref<640xf32, #tpu.memory_space<vmem>>, vector<16xf32>,
    %broadcast_in_dim3A_183 = arith.constant 0.000000e+00 : f32
    %broadcast_in_dim3A_184 = vector.broadcast %broadcast_in_dim3A_183 : f32 to vector<16xf32>
    %swap3A_185 = arith.constant 352 : index
    %swap3A_186 = tpu.vector_load %arg6[%swap3A_185] {strides = array<i32>} : memref<640xf32, #tpu.memory_space<vmem>>, vector<16xf32>,
    %swap3A_187 = vector.shape_cast %swap3A_186 : vector<16xf32> to vector<16xf32>
    %swap3A_188 = vector.shape_cast %broadcast_in_dim3A_184 : vector<16xf32> to vector<16xf32>
    tpu.vector_store %arg6[%swap3A_185], %swap3A_188 {strides = array<i32>} : memref<640xf32, #tpu.memory_space<vmem>>, vector<16xf32>,
    %broadcast_in_dim3A_189 = arith.constant 0.000000e+00 : f32
    %broadcast_in_dim3A_190 = vector.broadcast %broadcast_in_dim3A_189 : f32 to vector<16xf32>
    %swap3A_191 = arith.constant 368 : index
    %swap3A_192 = tpu.vector_load %arg6[%swap3A_191] {strides = array<i32>} : memref<640xf32, #tpu.memory_space<vmem>>, vector<16xf32>,
    %swap3A_193 = vector.shape_cast %swap3A_192 : vector<16xf32> to vector<16xf32>
    %swap3A_194 = vector.shape_cast %broadcast_in_dim3A_190 : vector<16xf32> to vector<16xf32>
    tpu.vector_store %arg6[%swap3A_191], %swap3A_194 {strides = array<i32>} : memref<640xf32, #tpu.memory_space<vmem>>, vector<16xf32>,
    %broadcast_in_dim3A_195 = arith.constant 0.000000e+00 : f32
    %broadcast_in_dim3A_196 = vector.broadcast %broadcast_in_dim3A_195 : f32 to vector<16xf32>
    %swap3A_197 = arith.constant 384 : index
    %swap3A_198 = tpu.vector_load %arg6[%swap3A_197] {strides = array<i32>} : memref<640xf32, #tpu.memory_space<vmem>>, vector<16xf32>,
    %swap3A_199 = vector.shape_cast %swap3A_198 : vector<16xf32> to vector<16xf32>
    %swap3A_200 = vector.shape_cast %broadcast_in_dim3A_196 : vector<16xf32> to vector<16xf32>
    tpu.vector_store %arg6[%swap3A_197], %swap3A_200 {strides = array<i32>} : memref<640xf32, #tpu.memory_space<vmem>>, vector<16xf32>,
    %broadcast_in_dim3A_201 = arith.constant 0.000000e+00 : f32
    %broadcast_in_dim3A_202 = vector.broadcast %broadcast_in_dim3A_201 : f32 to vector<16xf32>
    %swap3A_203 = arith.constant 400 : index
    %swap3A_204 = tpu.vector_load %arg6[%swap3A_203] {strides = array<i32>} : memref<640xf32, #tpu.memory_space<vmem>>, vector<16xf32>,
    %swap3A_205 = vector.shape_cast %swap3A_204 : vector<16xf32> to vector<16xf32>
    %swap3A_206 = vector.shape_cast %broadcast_in_dim3A_202 : vector<16xf32> to vector<16xf32>
    tpu.vector_store %arg6[%swap3A_203], %swap3A_206 {strides = array<i32>} : memref<640xf32, #tpu.memory_space<vmem>>, vector<16xf32>,
    %broadcast_in_dim3A_207 = arith.constant 0.000000e+00 : f32
    %broadcast_in_dim3A_208 = vector.broadcast %broadcast_in_dim3A_207 : f32 to vector<16xf32>
    %swap3A_209 = arith.constant 416 : index
    %swap3A_210 = tpu.vector_load %arg6[%swap3A_209] {strides = array<i32>} : memref<640xf32, #tpu.memory_space<vmem>>, vector<16xf32>,
    %swap3A_211 = vector.shape_cast %swap3A_210 : vector<16xf32> to vector<16xf32>
    %swap3A_212 = vector.shape_cast %broadcast_in_dim3A_208 : vector<16xf32> to vector<16xf32>
    tpu.vector_store %arg6[%swap3A_209], %swap3A_212 {strides = array<i32>} : memref<640xf32, #tpu.memory_space<vmem>>, vector<16xf32>,
    %broadcast_in_dim3A_213 = arith.constant 0.000000e+00 : f32
    %broadcast_in_dim3A_214 = vector.broadcast %broadcast_in_dim3A_213 : f32 to vector<16xf32>
    %swap3A_215 = arith.constant 432 : index
    %swap3A_216 = tpu.vector_load %arg6[%swap3A_215] {strides = array<i32>} : memref<640xf32, #tpu.memory_space<vmem>>, vector<16xf32>,
    %swap3A_217 = vector.shape_cast %swap3A_216 : vector<16xf32> to vector<16xf32>
    %swap3A_218 = vector.shape_cast %broadcast_in_dim3A_214 : vector<16xf32> to vector<16xf32>
    tpu.vector_store %arg6[%swap3A_215], %swap3A_218 {strides = array<i32>} : memref<640xf32, #tpu.memory_space<vmem>>, vector<16xf32>,
    %broadcast_in_dim3A_219 = arith.constant 0.000000e+00 : f32
    %broadcast_in_dim3A_220 = vector.broadcast %broadcast_in_dim3A_219 : f32 to vector<16xf32>
    %swap3A_221 = arith.constant 448 : index
    %swap3A_222 = tpu.vector_load %arg6[%swap3A_221] {strides = array<i32>} : memref<640xf32, #tpu.memory_space<vmem>>, vector<16xf32>,
    %swap3A_223 = vector.shape_cast %swap3A_222 : vector<16xf32> to vector<16xf32>
    %swap3A_224 = vector.shape_cast %broadcast_in_dim3A_220 : vector<16xf32> to vector<16xf32>
    tpu.vector_store %arg6[%swap3A_221], %swap3A_224 {strides = array<i32>} : memref<640xf32, #tpu.memory_space<vmem>>, vector<16xf32>,
    %broadcast_in_dim3A_225 = arith.constant 0.000000e+00 : f32
    %broadcast_in_dim3A_226 = vector.broadcast %broadcast_in_dim3A_225 : f32 to vector<16xf32>
    %swap3A_227 = arith.constant 464 : index
    %swap3A_228 = tpu.vector_load %arg6[%swap3A_227] {strides = array<i32>} : memref<640xf32, #tpu.memory_space<vmem>>, vector<16xf32>,
    %swap3A_229 = vector.shape_cast %swap3A_228 : vector<16xf32> to vector<16xf32>
    %swap3A_230 = vector.shape_cast %broadcast_in_dim3A_226 : vector<16xf32> to vector<16xf32>
    tpu.vector_store %arg6[%swap3A_227], %swap3A_230 {strides = array<i32>} : memref<640xf32, #tpu.memory_space<vmem>>, vector<16xf32>,
    %broadcast_in_dim3A_231 = arith.constant 0.000000e+00 : f32
    %broadcast_in_dim3A_232 = vector.broadcast %broadcast_in_dim3A_231 : f32 to vector<16xf32>
    %swap3A_233 = arith.constant 480 : index
    %swap3A_234 = tpu.vector_load %arg6[%swap3A_233] {strides = array<i32>} : memref<640xf32, #tpu.memory_space<vmem>>, vector<16xf32>,
    %swap3A_235 = vector.shape_cast %swap3A_234 : vector<16xf32> to vector<16xf32>
    %swap3A_236 = vector.shape_cast %broadcast_in_dim3A_232 : vector<16xf32> to vector<16xf32>
    tpu.vector_store %arg6[%swap3A_233], %swap3A_236 {strides = array<i32>} : memref<640xf32, #tpu.memory_space<vmem>>, vector<16xf32>,
    %broadcast_in_dim3A_237 = arith.constant 0.000000e+00 : f32
    %broadcast_in_dim3A_238 = vector.broadcast %broadcast_in_dim3A_237 : f32 to vector<16xf32>
    %swap3A_239 = arith.constant 496 : index
    %swap3A_240 = tpu.vector_load %arg6[%swap3A_239] {strides = array<i32>} : memref<640xf32, #tpu.memory_space<vmem>>, vector<16xf32>,
    %swap3A_241 = vector.shape_cast %swap3A_240 : vector<16xf32> to vector<16xf32>
    %swap3A_242 = vector.shape_cast %broadcast_in_dim3A_238 : vector<16xf32> to vector<16xf32>
    tpu.vector_store %arg6[%swap3A_239], %swap3A_242 {strides = array<i32>} : memref<640xf32, #tpu.memory_space<vmem>>, vector<16xf32>,
    %broadcast_in_dim3A_243 = arith.constant 0.000000e+00 : f32
    %broadcast_in_dim3A_244 = vector.broadcast %broadcast_in_dim3A_243 : f32 to vector<16xf32>
    %swap3A_245 = arith.constant 512 : index
    %swap3A_246 = tpu.vector_load %arg6[%swap3A_245] {strides = array<i32>} : memref<640xf32, #tpu.memory_space<vmem>>, vector<16xf32>,
    %swap3A_247 = vector.shape_cast %swap3A_246 : vector<16xf32> to vector<16xf32>
    %swap3A_248 = vector.shape_cast %broadcast_in_dim3A_244 : vector<16xf32> to vector<16xf32>
    tpu.vector_store %arg6[%swap3A_245], %swap3A_248 {strides = array<i32>} : memref<640xf32, #tpu.memory_space<vmem>>, vector<16xf32>,
    %broadcast_in_dim3A_249 = arith.constant 0.000000e+00 : f32
    %broadcast_in_dim3A_250 = vector.broadcast %broadcast_in_dim3A_249 : f32 to vector<16xf32>
    %swap3A_251 = arith.constant 528 : index
    %swap3A_252 = tpu.vector_load %arg6[%swap3A_251] {strides = array<i32>} : memref<640xf32, #tpu.memory_space<vmem>>, vector<16xf32>,
    %swap3A_253 = vector.shape_cast %swap3A_252 : vector<16xf32> to vector<16xf32>
    %swap3A_254 = vector.shape_cast %broadcast_in_dim3A_250 : vector<16xf32> to vector<16xf32>
    tpu.vector_store %arg6[%swap3A_251], %swap3A_254 {strides = array<i32>} : memref<640xf32, #tpu.memory_space<vmem>>, vector<16xf32>,
    %broadcast_in_dim3A_255 = arith.constant 0.000000e+00 : f32
    %broadcast_in_dim3A_256 = vector.broadcast %broadcast_in_dim3A_255 : f32 to vector<16xf32>
    %swap3A_257 = arith.constant 544 : index
    %swap3A_258 = tpu.vector_load %arg6[%swap3A_257] {strides = array<i32>} : memref<640xf32, #tpu.memory_space<vmem>>, vector<16xf32>,
    %swap3A_259 = vector.shape_cast %swap3A_258 : vector<16xf32> to vector<16xf32>
    %swap3A_260 = vector.shape_cast %broadcast_in_dim3A_256 : vector<16xf32> to vector<16xf32>
    tpu.vector_store %arg6[%swap3A_257], %swap3A_260 {strides = array<i32>} : memref<640xf32, #tpu.memory_space<vmem>>, vector<16xf32>,
    %broadcast_in_dim3A_261 = arith.constant 0.000000e+00 : f32
    %broadcast_in_dim3A_262 = vector.broadcast %broadcast_in_dim3A_261 : f32 to vector<16xf32>
    %swap3A_263 = arith.constant 560 : index
    %swap3A_264 = tpu.vector_load %arg6[%swap3A_263] {strides = array<i32>} : memref<640xf32, #tpu.memory_space<vmem>>, vector<16xf32>,
    %swap3A_265 = vector.shape_cast %swap3A_264 : vector<16xf32> to vector<16xf32>
    %swap3A_266 = vector.shape_cast %broadcast_in_dim3A_262 : vector<16xf32> to vector<16xf32>
    tpu.vector_store %arg6[%swap3A_263], %swap3A_266 {strides = array<i32>} : memref<640xf32, #tpu.memory_space<vmem>>, vector<16xf32>,
    %broadcast_in_dim3A_267 = arith.constant 0.000000e+00 : f32
    %broadcast_in_dim3A_268 = vector.broadcast %broadcast_in_dim3A_267 : f32 to vector<16xf32>
    %swap3A_269 = arith.constant 576 : index
    %swap3A_270 = tpu.vector_load %arg6[%swap3A_269] {strides = array<i32>} : memref<640xf32, #tpu.memory_space<vmem>>, vector<16xf32>,
    %swap3A_271 = vector.shape_cast %swap3A_270 : vector<16xf32> to vector<16xf32>
    %swap3A_272 = vector.shape_cast %broadcast_in_dim3A_268 : vector<16xf32> to vector<16xf32>
    tpu.vector_store %arg6[%swap3A_269], %swap3A_272 {strides = array<i32>} : memref<640xf32, #tpu.memory_space<vmem>>, vector<16xf32>,
    %broadcast_in_dim3A_273 = arith.constant 0.000000e+00 : f32
    %broadcast_in_dim3A_274 = vector.broadcast %broadcast_in_dim3A_273 : f32 to vector<16xf32>
    %swap3A_275 = arith.constant 592 : index
    %swap3A_276 = tpu.vector_load %arg6[%swap3A_275] {strides = array<i32>} : memref<640xf32, #tpu.memory_space<vmem>>, vector<16xf32>,
    %swap3A_277 = vector.shape_cast %swap3A_276 : vector<16xf32> to vector<16xf32>
    %swap3A_278 = vector.shape_cast %broadcast_in_dim3A_274 : vector<16xf32> to vector<16xf32>
    tpu.vector_store %arg6[%swap3A_275], %swap3A_278 {strides = array<i32>} : memref<640xf32, #tpu.memory_space<vmem>>, vector<16xf32>,
    %broadcast_in_dim3A_279 = arith.constant 0.000000e+00 : f32
    %broadcast_in_dim3A_280 = vector.broadcast %broadcast_in_dim3A_279 : f32 to vector<16xf32>
    %swap3A_281 = arith.constant 608 : index
    %swap3A_282 = tpu.vector_load %arg6[%swap3A_281] {strides = array<i32>} : memref<640xf32, #tpu.memory_space<vmem>>, vector<16xf32>,
    %swap3A_283 = vector.shape_cast %swap3A_282 : vector<16xf32> to vector<16xf32>
    %swap3A_284 = vector.shape_cast %broadcast_in_dim3A_280 : vector<16xf32> to vector<16xf32>
    tpu.vector_store %arg6[%swap3A_281], %swap3A_284 {strides = array<i32>} : memref<640xf32, #tpu.memory_space<vmem>>, vector<16xf32>,
    %broadcast_in_dim3A_285 = arith.constant 0.000000e+00 : f32
    %broadcast_in_dim3A_286 = vector.broadcast %broadcast_in_dim3A_285 : f32 to vector<16xf32>
    %swap3A_287 = arith.constant 624 : index
    %swap3A_288 = tpu.vector_load %arg6[%swap3A_287] {strides = array<i32>} : memref<640xf32, #tpu.memory_space<vmem>>, vector<16xf32>,
    %swap3A_289 = vector.shape_cast %swap3A_288 : vector<16xf32> to vector<16xf32>
    %swap3A_290 = vector.shape_cast %broadcast_in_dim3A_286 : vector<16xf32> to vector<16xf32>
    tpu.vector_store %arg6[%swap3A_287], %swap3A_290 {strides = array<i32>} : memref<640xf32, #tpu.memory_space<vmem>>, vector<16xf32>,
    %mul3A_291 = arith.constant 640 : i32
    %mul3A_292 = arith.muli %arg1, %mul3A_291 : i32
    "tpu.region"() ({
      %run_scoped3A = tpu.sem_alloc : memref<!tpu.dma_semaphore, #tpu.memory_space<semaphore_mem>>
      %dma_start3A = tpu.memref_slice %arg7[%mul3A_292] : memref<10240xf32, #tpu.memory_space<vmem_shared>> -> memref<640xf32, #tpu.memory_space<vmem_shared>>
      %dma_start3A_337 = tpu.memref_slice %arg7[%mul3A_292] : memref<10240xf32, #tpu.memory_space<vmem_shared>> -> memref<640xf32, #tpu.memory_space<vmem_shared>>
      tpu.enqueue_dma source(%arg6 : memref<640xf32, #tpu.memory_space<vmem>>) target(%dma_start3A_337 : memref<640xf32, #tpu.memory_space<vmem_shared>>) target_semaphore(%run_scoped3A : memref<!tpu.dma_semaphore, #tpu.memory_space<semaphore_mem>>)
      %dma_wait3A = tpu.memref_slice %arg7[%mul3A_292] : memref<10240xf32, #tpu.memory_space<vmem_shared>> -> memref<640xf32, #tpu.memory_space<vmem_shared>>
      %dma_wait3A_338 = tpu.memref_slice %arg7[%mul3A_292] : memref<10240xf32, #tpu.memory_space<vmem_shared>> -> memref<640xf32, #tpu.memory_space<vmem_shared>>
      tpu.wait_dma2 semaphore(%run_scoped3A : memref<!tpu.dma_semaphore, #tpu.memory_space<semaphore_mem>>) src(%arg6 : memref<640xf32, #tpu.memory_space<vmem>>) dst(%dma_wait3A_338 : memref<640xf32, #tpu.memory_space<vmem_shared>>)
      tpu.yield
    }) : () -> ()
    %while3A = arith.constant 0 : i32
    %while3A_293 = arith.constant 0 : i32
    %while3A_294 = arith.subi %add3A_4, %while3A_293 : i32
    %while3A_295 = arith.addi %while3A_293, %while3A_294 : i32
    %while3A_296 = arith.constant 1 : i32
    %while3A_297 = arith.divsi %while3A_294, %while3A_296 : i32
    %while3A_298 = arith.muli %while3A_297, %while3A_296 : i32
    %while3A_299 = arith.addi %while3A_293, %while3A_298 : i32
    %while3A_300 = arith.constant 1 : i32
    scf.for %while3A_337 = %while3A_293 to %while3A_299 step %while3A_300  : i32 {
      %mul3A_338 = arith.constant 32 : i32
      %mul3A_339 = arith.muli %while3A_337, %mul3A_338 : i32
      %add3A_340 = arith.addi %add3A, %mul3A_339 : i32
      %mul3A_341 = arith.constant 128 : i32
      %mul3A_342 = arith.muli %add3A_340, %mul3A_341 : i32
      %dma_start3A = arith.constant 0 : i32
      %dma_start3A_343 = arith.constant 0 : i32
      %dma_start3A_344 = tpu.memref_slice %arg4[%while3A_337, %dma_start3A_343] : memref<79x128xi32, #tpu.memory_space<vmem>> -> memref<1x128xi32, #tpu.memory_space<vmem>>
      %dma_start3A_345 = tpu.memref_squeeze %dma_start3A_344 : memref<1x128xi32, #tpu.memory_space<vmem>> -> memref<128xi32, #tpu.memory_space<vmem>>
      %dma_start3A_346 = tpu.memref_slice %arg2[%dma_start3A, %mul3A_342] : memref<2x320000xi32, #tpu.memory_space<hbm>> -> memref<1x128xi32, #tpu.memory_space<hbm>>
      %dma_start3A_347 = tpu.memref_squeeze %dma_start3A_346 : memref<1x128xi32, #tpu.memory_space<hbm>> -> memref<128xi32, #tpu.memory_space<hbm>>
      %dma_start3A_348 = arith.constant 0 : i32
      %dma_start3A_349 = tpu.memref_slice %arg4[%while3A_337, %dma_start3A_348] : memref<79x128xi32, #tpu.memory_space<vmem>> -> memref<1x128xi32, #tpu.memory_space<vmem>>
      %dma_start3A_350 = tpu.memref_squeeze %dma_start3A_349 : memref<1x128xi32, #tpu.memory_space<vmem>> -> memref<128xi32, #tpu.memory_space<vmem>>
      %dma_start3A_351 = tpu.memref_slice %arg2[%dma_start3A, %mul3A_342] : memref<2x320000xi32, #tpu.memory_space<hbm>> -> memref<1x128xi32, #tpu.memory_space<hbm>>
      %dma_start3A_352 = tpu.memref_squeeze %dma_start3A_351 : memref<1x128xi32, #tpu.memory_space<hbm>> -> memref<128xi32, #tpu.memory_space<hbm>>
      tpu.enqueue_dma source(%dma_start3A_352 : memref<128xi32, #tpu.memory_space<hbm>>) target(%dma_start3A_350 : memref<128xi32, #tpu.memory_space<vmem>>) target_semaphore(%arg8 : memref<!tpu.dma_semaphore, #tpu.memory_space<semaphore_mem>>)
    }
    %while3A_301 = arith.constant 1 : i32
    scf.for %while3A_337 = %while3A_299 to %while3A_295 step %while3A_301  : i32 {
      %mul3A_338 = arith.constant 32 : i32
      %mul3A_339 = arith.muli %while3A_337, %mul3A_338 : i32
      %add3A_340 = arith.addi %add3A, %mul3A_339 : i32
      %mul3A_341 = arith.constant 128 : i32
      %mul3A_342 = arith.muli %add3A_340, %mul3A_341 : i32
      %dma_start3A = arith.constant 0 : i32
      %dma_start3A_343 = arith.constant 0 : i32
      %dma_start3A_344 = tpu.memref_slice %arg4[%while3A_337, %dma_start3A_343] : memref<79x128xi32, #tpu.memory_space<vmem>> -> memref<1x128xi32, #tpu.memory_space<vmem>>
      %dma_start3A_345 = tpu.memref_squeeze %dma_start3A_344 : memref<1x128xi32, #tpu.memory_space<vmem>> -> memref<128xi32, #tpu.memory_space<vmem>>
      %dma_start3A_346 = tpu.memref_slice %arg2[%dma_start3A, %mul3A_342] : memref<2x320000xi32, #tpu.memory_space<hbm>> -> memref<1x128xi32, #tpu.memory_space<hbm>>
      %dma_start3A_347 = tpu.memref_squeeze %dma_start3A_346 : memref<1x128xi32, #tpu.memory_space<hbm>> -> memref<128xi32, #tpu.memory_space<hbm>>
      %dma_start3A_348 = arith.constant 0 : i32
      %dma_start3A_349 = tpu.memref_slice %arg4[%while3A_337, %dma_start3A_348] : memref<79x128xi32, #tpu.memory_space<vmem>> -> memref<1x128xi32, #tpu.memory_space<vmem>>
      %dma_start3A_350 = tpu.memref_squeeze %dma_start3A_349 : memref<1x128xi32, #tpu.memory_space<vmem>> -> memref<128xi32, #tpu.memory_space<vmem>>
      %dma_start3A_351 = tpu.memref_slice %arg2[%dma_start3A, %mul3A_342] : memref<2x320000xi32, #tpu.memory_space<hbm>> -> memref<1x128xi32, #tpu.memory_space<hbm>>
      %dma_start3A_352 = tpu.memref_squeeze %dma_start3A_351 : memref<1x128xi32, #tpu.memory_space<hbm>> -> memref<128xi32, #tpu.memory_space<hbm>>
      tpu.enqueue_dma source(%dma_start3A_352 : memref<128xi32, #tpu.memory_space<hbm>>) target(%dma_start3A_350 : memref<128xi32, #tpu.memory_space<vmem>>) target_semaphore(%arg8 : memref<!tpu.dma_semaphore, #tpu.memory_space<semaphore_mem>>)
    }
    %while3A_302 = arith.constant 0 : i32
    %while3A_303 = arith.constant 0 : i32
    %while3A_304 = arith.subi %add3A_4, %while3A_303 : i32
    %while3A_305 = arith.addi %while3A_303, %while3A_304 : i32
    %while3A_306 = arith.constant 1 : i32
    %while3A_307 = arith.divsi %while3A_304, %while3A_306 : i32
    %while3A_308 = arith.muli %while3A_307, %while3A_306 : i32
    %while3A_309 = arith.addi %while3A_303, %while3A_308 : i32
    %while3A_310 = arith.constant 1 : i32
    scf.for %while3A_337 = %while3A_303 to %while3A_309 step %while3A_310  : i32 {
      %dma_wait3A = arith.constant 0 : i32
      %dma_wait3A_338 = arith.constant 0 : i32
      %dma_wait3A_339 = arith.constant 0 : i32
      %dma_wait3A_340 = tpu.memref_slice %arg4[%dma_wait3A_338, %dma_wait3A_339] : memref<79x128xi32, #tpu.memory_space<vmem>> -> memref<1x128xi32, #tpu.memory_space<vmem>>
      %dma_wait3A_341 = tpu.memref_squeeze %dma_wait3A_340 : memref<1x128xi32, #tpu.memory_space<vmem>> -> memref<128xi32, #tpu.memory_space<vmem>>
      %dma_wait3A_342 = arith.constant 0 : i32
      %dma_wait3A_343 = tpu.memref_slice %arg2[%dma_wait3A, %dma_wait3A_342] : memref<2x320000xi32, #tpu.memory_space<hbm>> -> memref<1x128xi32, #tpu.memory_space<hbm>>
      %dma_wait3A_344 = tpu.memref_squeeze %dma_wait3A_343 : memref<1x128xi32, #tpu.memory_space<hbm>> -> memref<128xi32, #tpu.memory_space<hbm>>
      %dma_wait3A_345 = arith.constant 0 : i32
      %dma_wait3A_346 = tpu.memref_slice %arg4[%dma_wait3A_338, %dma_wait3A_345] : memref<79x128xi32, #tpu.memory_space<vmem>> -> memref<1x128xi32, #tpu.memory_space<vmem>>
      %dma_wait3A_347 = tpu.memref_squeeze %dma_wait3A_346 : memref<1x128xi32, #tpu.memory_space<vmem>> -> memref<128xi32, #tpu.memory_space<vmem>>
      %dma_wait3A_348 = arith.constant 0 : i32
      %dma_wait3A_349 = tpu.memref_slice %arg2[%dma_wait3A, %dma_wait3A_348] : memref<2x320000xi32, #tpu.memory_space<hbm>> -> memref<1x128xi32, #tpu.memory_space<hbm>>
      %dma_wait3A_350 = tpu.memref_squeeze %dma_wait3A_349 : memref<1x128xi32, #tpu.memory_space<hbm>> -> memref<128xi32, #tpu.memory_space<hbm>>
      tpu.wait_dma2 semaphore(%arg8 : memref<!tpu.dma_semaphore, #tpu.memory_space<semaphore_mem>>) src(%dma_wait3A_350 : memref<128xi32, #tpu.memory_space<hbm>>) dst(%dma_wait3A_347 : memref<128xi32, #tpu.memory_space<vmem>>)
    }
    %while3A_311 = arith.constant 1 : i32
    scf.for %while3A_337 = %while3A_309 to %while3A_305 step %while3A_311  : i32 {
      %dma_wait3A = arith.constant 0 : i32
      %dma_wait3A_338 = arith.constant 0 : i32
      %dma_wait3A_339 = arith.constant 0 : i32
      %dma_wait3A_340 = tpu.memref_slice %arg4[%dma_wait3A_338, %dma_wait3A_339] : memref<79x128xi32, #tpu.memory_space<vmem>> -> memref<1x128xi32, #tpu.memory_space<vmem>>
      %dma_wait3A_341 = tpu.memref_squeeze %dma_wait3A_340 : memref<1x128xi32, #tpu.memory_space<vmem>> -> memref<128xi32, #tpu.memory_space<vmem>>
      %dma_wait3A_342 = arith.constant 0 : i32
      %dma_wait3A_343 = tpu.memref_slice %arg2[%dma_wait3A, %dma_wait3A_342] : memref<2x320000xi32, #tpu.memory_space<hbm>> -> memref<1x128xi32, #tpu.memory_space<hbm>>
      %dma_wait3A_344 = tpu.memref_squeeze %dma_wait3A_343 : memref<1x128xi32, #tpu.memory_space<hbm>> -> memref<128xi32, #tpu.memory_space<hbm>>
      %dma_wait3A_345 = arith.constant 0 : i32
      %dma_wait3A_346 = tpu.memref_slice %arg4[%dma_wait3A_338, %dma_wait3A_345] : memref<79x128xi32, #tpu.memory_space<vmem>> -> memref<1x128xi32, #tpu.memory_space<vmem>>
      %dma_wait3A_347 = tpu.memref_squeeze %dma_wait3A_346 : memref<1x128xi32, #tpu.memory_space<vmem>> -> memref<128xi32, #tpu.memory_space<vmem>>
      %dma_wait3A_348 = arith.constant 0 : i32
      %dma_wait3A_349 = tpu.memref_slice %arg2[%dma_wait3A, %dma_wait3A_348] : memref<2x320000xi32, #tpu.memory_space<hbm>> -> memref<1x128xi32, #tpu.memory_space<hbm>>
      %dma_wait3A_350 = tpu.memref_squeeze %dma_wait3A_349 : memref<1x128xi32, #tpu.memory_space<hbm>> -> memref<128xi32, #tpu.memory_space<hbm>>
      tpu.wait_dma2 semaphore(%arg8 : memref<!tpu.dma_semaphore, #tpu.memory_space<semaphore_mem>>) src(%dma_wait3A_350 : memref<128xi32, #tpu.memory_space<hbm>>) dst(%dma_wait3A_347 : memref<128xi32, #tpu.memory_space<vmem>>)
    }
    %barrier3A = arith.constant 0 : index
    tpu.barrier barrier_id(%barrier3A)
    %while3A_312 = arith.constant 0 : i32
    %while3A_313 = arith.constant 0 : i32
    %while3A_314 = arith.subi %add3A_4, %while3A_313 : i32
    %while3A_315 = arith.addi %while3A_313, %while3A_314 : i32
    %while3A_316 = arith.constant 1 : i32
    %while3A_317 = arith.divsi %while3A_314, %while3A_316 : i32
    %while3A_318 = arith.muli %while3A_317, %while3A_316 : i32
    %while3A_319 = arith.addi %while3A_313, %while3A_318 : i32
    %while3A_320 = arith.constant 1 : i32
    scf.for %while3A_337 = %while3A_313 to %while3A_319 step %while3A_320  : i32 {
      %dma_start3A = arith.constant 0 : i32
      %dma_start3A_338 = tpu.memref_slice %arg4[%while3A_337, %dma_start3A] : memref<79x128xi32, #tpu.memory_space<vmem>> -> memref<1x128xi32, #tpu.memory_space<vmem>>
      %dma_start3A_339 = tpu.memref_squeeze %dma_start3A_338 : memref<1x128xi32, #tpu.memory_space<vmem>> -> memref<128xi32, #tpu.memory_space<vmem>>
      %dma_start3A_340 = arith.constant 0 : i32
      %dma_start3A_341 = tpu.memref_slice %arg7[%dma_start3A_340] : memref<10240xf32, #tpu.memory_space<vmem_shared>> -> memref<10240xf32, #tpu.memory_space<vmem_shared>>
      tpu.enqueue_indirect_dma source(%arg5 : memref<128xf32, #tpu.memory_space<vmem>>) target(%dma_start3A_341 : memref<10240xf32, #tpu.memory_space<vmem_shared>>) offsets(%dma_start3A_339 : memref<128xi32, #tpu.memory_space<vmem>>) semaphore(%arg8 : memref<!tpu.dma_semaphore, #tpu.memory_space<semaphore_mem>>) {add = true}
    }
    %while3A_321 = arith.constant 1 : i32
    scf.for %while3A_337 = %while3A_319 to %while3A_315 step %while3A_321  : i32 {
      %dma_start3A = arith.constant 0 : i32
      %dma_start3A_338 = tpu.memref_slice %arg4[%while3A_337, %dma_start3A] : memref<79x128xi32, #tpu.memory_space<vmem>> -> memref<1x128xi32, #tpu.memory_space<vmem>>
      %dma_start3A_339 = tpu.memref_squeeze %dma_start3A_338 : memref<1x128xi32, #tpu.memory_space<vmem>> -> memref<128xi32, #tpu.memory_space<vmem>>
      %dma_start3A_340 = arith.constant 0 : i32
      %dma_start3A_341 = tpu.memref_slice %arg7[%dma_start3A_340] : memref<10240xf32, #tpu.memory_space<vmem_shared>> -> memref<10240xf32, #tpu.memory_space<vmem_shared>>
      tpu.enqueue_indirect_dma source(%arg5 : memref<128xf32, #tpu.memory_space<vmem>>) target(%dma_start3A_341 : memref<10240xf32, #tpu.memory_space<vmem_shared>>) offsets(%dma_start3A_339 : memref<128xi32, #tpu.memory_space<vmem>>) semaphore(%arg8 : memref<!tpu.dma_semaphore, #tpu.memory_space<semaphore_mem>>) {add = true}
    }
    %while3A_322 = arith.constant 0 : i32
    %while3A_323 = arith.constant 0 : i32
    %while3A_324 = arith.subi %add3A_4, %while3A_323 : i32
    %while3A_325 = arith.addi %while3A_323, %while3A_324 : i32
    %while3A_326 = arith.constant 1 : i32
    %while3A_327 = arith.divsi %while3A_324, %while3A_326 : i32
    %while3A_328 = arith.muli %while3A_327, %while3A_326 : i32
    %while3A_329 = arith.addi %while3A_323, %while3A_328 : i32
    %while3A_330 = arith.constant 1 : i32
    scf.for %while3A_337 = %while3A_323 to %while3A_329 step %while3A_330  : i32 {
      %dma_wait3A = arith.constant 0 : i32
      %dma_wait3A_338 = tpu.memref_slice %arg4[%while3A_337, %dma_wait3A] : memref<79x128xi32, #tpu.memory_space<vmem>> -> memref<1x128xi32, #tpu.memory_space<vmem>>
      %dma_wait3A_339 = tpu.memref_squeeze %dma_wait3A_338 : memref<1x128xi32, #tpu.memory_space<vmem>> -> memref<128xi32, #tpu.memory_space<vmem>>
      %dma_wait3A_340 = arith.constant 0 : i32
      %dma_wait3A_341 = tpu.memref_slice %arg7[%dma_wait3A_340] : memref<10240xf32, #tpu.memory_space<vmem_shared>> -> memref<10240xf32, #tpu.memory_space<vmem_shared>>
      tpu.wait_indirect_dma semaphore(%arg8 : memref<!tpu.dma_semaphore, #tpu.memory_space<semaphore_mem>>) src(%arg5 : memref<128xf32, #tpu.memory_space<vmem>>) dst(%dma_wait3A_341 : memref<10240xf32, #tpu.memory_space<vmem_shared>>)
    }
    %while3A_331 = arith.constant 1 : i32
    scf.for %while3A_337 = %while3A_329 to %while3A_325 step %while3A_331  : i32 {
      %dma_wait3A = arith.constant 0 : i32
      %dma_wait3A_338 = tpu.memref_slice %arg4[%while3A_337, %dma_wait3A] : memref<79x128xi32, #tpu.memory_space<vmem>> -> memref<1x128xi32, #tpu.memory_space<vmem>>
      %dma_wait3A_339 = tpu.memref_squeeze %dma_wait3A_338 : memref<1x128xi32, #tpu.memory_space<vmem>> -> memref<128xi32, #tpu.memory_space<vmem>>
      %dma_wait3A_340 = arith.constant 0 : i32
      %dma_wait3A_341 = tpu.memref_slice %arg7[%dma_wait3A_340] : memref<10240xf32, #tpu.memory_space<vmem_shared>> -> memref<10240xf32, #tpu.memory_space<vmem_shared>>
      tpu.wait_indirect_dma semaphore(%arg8 : memref<!tpu.dma_semaphore, #tpu.memory_space<semaphore_mem>>) src(%arg5 : memref<128xf32, #tpu.memory_space<vmem>>) dst(%dma_wait3A_341 : memref<10240xf32, #tpu.memory_space<vmem_shared>>)
    }
    %barrier3A_332 = arith.constant 0 : index
    tpu.barrier barrier_id(%barrier3A_332)
    %mul3A_333 = arith.constant 640 : i32
    %mul3A_334 = arith.muli %arg1, %mul3A_333 : i32
    "tpu.region"() ({
      %run_scoped3A = tpu.sem_alloc : memref<!tpu.dma_semaphore, #tpu.memory_space<semaphore_mem>>
      %dma_start3A = tpu.memref_slice %arg7[%mul3A_334] : memref<10240xf32, #tpu.memory_space<vmem_shared>> -> memref<640xf32, #tpu.memory_space<vmem_shared>>
      %dma_start3A_337 = tpu.memref_slice %arg7[%mul3A_334] : memref<10240xf32, #tpu.memory_space<vmem_shared>> -> memref<640xf32, #tpu.memory_space<vmem_shared>>
      tpu.enqueue_dma source(%dma_start3A_337 : memref<640xf32, #tpu.memory_space<vmem_shared>>) target(%arg6 : memref<640xf32, #tpu.memory_space<vmem>>) target_semaphore(%run_scoped3A : memref<!tpu.dma_semaphore, #tpu.memory_space<semaphore_mem>>)
      %dma_wait3A = tpu.memref_slice %arg7[%mul3A_334] : memref<10240xf32, #tpu.memory_space<vmem_shared>> -> memref<640xf32, #tpu.memory_space<vmem_shared>>
      %dma_wait3A_338 = tpu.memref_slice %arg7[%mul3A_334] : memref<10240xf32, #tpu.memory_space<vmem_shared>> -> memref<640xf32, #tpu.memory_space<vmem_shared>>
      tpu.wait_dma2 semaphore(%run_scoped3A : memref<!tpu.dma_semaphore, #tpu.memory_space<semaphore_mem>>) src(%dma_wait3A_338 : memref<640xf32, #tpu.memory_space<vmem_shared>>) dst(%arg6 : memref<640xf32, #tpu.memory_space<vmem>>)
      tpu.yield
    }) : () -> ()
    %mul3A_335 = arith.constant 640 : i32
    %mul3A_336 = arith.muli %arg1, %mul3A_335 : i32
    "tpu.region"() ({
      %run_scoped3A = tpu.sem_alloc : memref<!tpu.dma_semaphore, #tpu.memory_space<semaphore_mem>>
      %dma_start3A = tpu.memref_slice %arg3[%arg0, %mul3A_336] : memref<2x10240xf32, #tpu.memory_space<hbm>> -> memref<1x640xf32, #tpu.memory_space<hbm>>
      %dma_start3A_337 = tpu.memref_squeeze %dma_start3A : memref<1x640xf32, #tpu.memory_space<hbm>> -> memref<640xf32, #tpu.memory_space<hbm>>
      %dma_start3A_338 = tpu.memref_slice %arg3[%arg0, %mul3A_336] : memref<2x10240xf32, #tpu.memory_space<hbm>> -> memref<1x640xf32, #tpu.memory_space<hbm>>
      %dma_start3A_339 = tpu.memref_squeeze %dma_start3A_338 : memref<1x640xf32, #tpu.memory_space<hbm>> -> memref<640xf32, #tpu.memory_space<hbm>>
      tpu.enqueue_dma source(%arg6 : memref<640xf32, #tpu.memory_space<vmem>>) target(%dma_start3A_339 : memref<640xf32, #tpu.memory_space<hbm>>) target_semaphore(%run_scoped3A : memref<!tpu.dma_semaphore, #tpu.memory_space<semaphore_mem>>)
      %dma_wait3A = tpu.memref_slice %arg3[%arg0, %mul3A_336] : memref<2x10240xf32, #tpu.memory_space<hbm>> -> memref<1x640xf32, #tpu.memory_space<hbm>>
      %dma_wait3A_340 = tpu.memref_squeeze %dma_wait3A : memref<1x640xf32, #tpu.memory_space<hbm>> -> memref<640xf32, #tpu.memory_space<hbm>>
      %dma_wait3A_341 = tpu.memref_slice %arg3[%arg0, %mul3A_336] : memref<2x10240xf32, #tpu.memory_space<hbm>> -> memref<1x640xf32, #tpu.memory_space<hbm>>
      %dma_wait3A_342 = tpu.memref_squeeze %dma_wait3A_341 : memref<1x640xf32, #tpu.memory_space<hbm>> -> memref<640xf32, #tpu.memory_space<hbm>>
      tpu.wait_dma2 semaphore(%run_scoped3A : memref<!tpu.dma_semaphore, #tpu.memory_space<semaphore_mem>>) src(%arg6 : memref<640xf32, #tpu.memory_space<vmem>>) dst(%dma_wait3A_342 : memref<640xf32, #tpu.memory_space<hbm>>)
      tpu.yield
    }) : () -> ()
    return
  }
}

module attributes {stable_mosaic.version = 14 : i64} {
  func.func @_tc_body(%arg0: i32, %arg1: memref<2048x128xf32, #tpu.memory_space<vmem>>, %arg2: memref<128x128xf32, #tpu.memory_space<vmem>>, %arg3: memref<128x128xf32, #tpu.memory_space<vmem>>, %arg4: memref<2x2048xf32, #tpu.memory_space<vmem>>, %arg5: memref<2048x128xf32, #tpu.memory_space<vmem>>) attributes {dimension_semantics = [#tpu.dimension_semantics<arbitrary>], iteration_bounds = array<i64: 5>, scalar_prefetch = 0 : i64, scratch_operands = 0 : i64, tpu.core_type = #tpu.core_type<tc>, window_params = [{transform_indices = @transform_0, window_bounds = array<i64: 2048, 128>}, {pipeline_mode = #tpu.pipeline_mode<synchronous>, transform_indices = @transform_1, window_bounds = array<i64: 128, 128>}, {pipeline_mode = #tpu.pipeline_mode<synchronous>, transform_indices = @transform_2, window_bounds = array<i64: 128, 128>}, {transform_indices = @transform_3, window_bounds = array<i64: 2, 2048>}, {transform_indices = @transform_4, window_bounds = array<i64: 2048, 128>}]} {
    %get3A = arith.constant 0 : index
    %get3A_0 = arith.constant 0 : index
    %get3A_1 = vector.load %arg1[%get3A, %get3A_0] : memref<2048x128xf32, #tpu.memory_space<vmem>>, vector<2048x128xf32>
    %get3A_2 = arith.constant 0 : index
    %get3A_3 = arith.constant 0 : index
    %get3A_4 = vector.load %arg2[%get3A_2, %get3A_3] : memref<128x128xf32, #tpu.memory_space<vmem>>, vector<128x128xf32>
    %dot_general3A = arith.constant dense<0.000000e+00> : vector<2048x128xf32>
    %dot_general3A_5 = tpu.matmul %get3A_1, %get3A_4, %dot_general3A {dimension_numbers = #tpu.dot_dimension_numbers<[1], [0], [0], [1], [0, 0, 1, 1], [], []>, transpose_lhs_hint = false} : vector<2048x128xf32>, vector<128x128xf32>, vector<2048x128xf32> -> vector<2048x128xf32>
    %get3A_6 = arith.constant 0 : index
    %get3A_7 = arith.constant 0 : index
    %get3A_8 = vector.load %arg3[%get3A_6, %get3A_7] : memref<128x128xf32, #tpu.memory_space<vmem>>, vector<128x128xf32>
    %dot_general3A_9 = arith.constant dense<0.000000e+00> : vector<2048x128xf32>
    %dot_general3A_10 = tpu.matmul %dot_general3A_5, %get3A_8, %dot_general3A_9 {dimension_numbers = #tpu.dot_dimension_numbers<[1], [0], [0], [1], [0, 0, 1, 1], [], []>, transpose_lhs_hint = false} : vector<2048x128xf32>, vector<128x128xf32>, vector<2048x128xf32> -> vector<2048x128xf32>
    %get3A_11 = arith.constant 0 : index
    %get3A_12 = arith.constant 0 : index
    %get3A_13 = vector.load %arg4[%get3A_11, %get3A_12] : memref<2x2048xf32, #tpu.memory_space<vmem>>, vector<2x2048xf32>
    %slice3A = vector.extract_strided_slice %get3A_13 {offsets = [0, 0], sizes = [1, 2048], strides = [1, 1]} : vector<2x2048xf32> to vector<1x2048xf32>
    %slice3A_14 = vector.extract_strided_slice %get3A_13 {offsets = [1, 0], sizes = [1, 2048], strides = [1, 1]} : vector<2x2048xf32> to vector<1x2048xf32>
    %add3A = arith.addf %slice3A, %slice3A_14 : vector<1x2048xf32>
    %transpose3A = tpu.transpose %add3A, [1, 0] : vector<1x2048xf32> -> vector<2048x1xf32>
    %gt3A = arith.constant 0.000000e+00 : f32
    %gt3A_15 = vector.broadcast %gt3A : f32 to vector<2048x1xf32>
    %gt3A_16 = arith.cmpf ogt, %transpose3A, %gt3A_15 : vector<2048x1xf32>
    %jit3A = arith.constant 0.000000e+00 : f32
    %broadcast_in_dim3A = vector.shape_cast %gt3A_16 : vector<2048x1xi1> to vector<2048x1xi1>
    %broadcast_in_dim3A_17 = vector.broadcast %broadcast_in_dim3A : vector<2048x1xi1> to vector<2048x128xi1>
    %broadcast_in_dim3A_18 = vector.broadcast %jit3A : f32 to vector<2048x128xf32>
    %select_n3A = arith.select %broadcast_in_dim3A_17, %dot_general3A_10, %broadcast_in_dim3A_18 : vector<2048x128xi1>, vector<2048x128xf32>
    %swap3A = arith.constant 0 : index
    %swap3A_19 = arith.constant 0 : index
    %swap3A_20 = vector.load %arg5[%swap3A, %swap3A_19] : memref<2048x128xf32, #tpu.memory_space<vmem>>, vector<2048x128xf32>
    tpu.vector_store %arg5[%swap3A, %swap3A_19], %select_n3A {strides = array<i32>} : memref<2048x128xf32, #tpu.memory_space<vmem>>, vector<2048x128xf32>,
    return
  }
  func.func @transform_0(%arg0: i32) -> (i32, i32) {
    %c0_i32 = arith.constant 0 : i32
    %c0_i32_0 = arith.constant 0 : i32
    return %arg0, %c0_i32 : i32, i32
  }
  func.func @transform_1(%arg0: i32) -> (i32, i32) {
    %c0_i32 = arith.constant 0 : i32
    %c0_i32_0 = arith.constant 0 : i32
    %c0_i32_1 = arith.constant 0 : i32
    return %c0_i32, %c0_i32_0 : i32, i32
  }
  func.func @transform_2(%arg0: i32) -> (i32, i32) {
    %c0_i32 = arith.constant 0 : i32
    %c0_i32_0 = arith.constant 0 : i32
    %c0_i32_1 = arith.constant 0 : i32
    return %c0_i32, %c0_i32_0 : i32, i32
  }
  func.func @transform_3(%arg0: i32) -> (i32, i32) {
    %c0_i32 = arith.constant 0 : i32
    %c0_i32_0 = arith.constant 0 : i32
    return %c0_i32, %arg0 : i32, i32
  }
  func.func @transform_4(%arg0: i32) -> (i32, i32) {
    %c0_i32 = arith.constant 0 : i32
    %c0_i32_0 = arith.constant 0 : i32
    return %arg0, %c0_i32 : i32, i32
  }
}

</mosaic_0001>

<sc_bundles>
// kernel: kernel.4.cloned.1.call-start
scs
__scs_entry_jumppad:
0x0: {  	(pc) =	sbr.rel $0x88, $3  }
0x1: {  	(tag) =	ssettag $0x0;
	lr =	simm.s32 $0x1  }
0x2: {  	[smem:$0x3F9D] =	sst lr;
	_ =	strace $0xD0000000  }
0x3: {  	_ = 	snop  }
0x4: {  	_ = 	snop  }
0x5: {  	_ = 	snop  }
0x6: {  	_ = 	snop  }
0x7: {  	_ = 	snop  }
__scs_overlays_trampoline_lowered:
0x8: {  	[smem:$0x3FAC] =	sst s0  }
0x9: {  	[smem:$0x3FAD] =	sst s1  }
0xa: {  	[smem:$0x3FAE] =	sst s2  }
0xb: {  	[smem:$0x3FAF] =	sst s3  }
0xc: {  	[smem:$0x3FB0] =	sst s4  }
0xd: {  	[smem:$0x3FB1] =	sst s5  }
0xe: {  	[smem:$0x3FB2] =	sst s6  }
0xf: {  	[smem:$0x3FB3] =	sst s7  }
0x10: {  	[smem:$0x3FB4] =	sst s8  }
0x11: {  	[smem:$0x3FB5] =	sst s9;
	s0 =	simm.s32 @!p0 $0x0  }
0x12: {  	s1 =	sld [smem:$0x3F9B];
	s0 =	simm.s32 @p0 $0x1  }
0x13: {  	[smem:$0x3FB6] =	sst s0;
	s0 =	simm.s32 @!p1 $0x0  }
0x14: {  	s2 =	sld [smem:$0x3F9A];
	s0 =	simm.s32 @p1 $0x1  }
0x15: {  	[smem:$0x3FB7] =	sst s0;
	s0 =	simm.s32 @!p2 $0x0  }
0x16: {  	s3 =	sld [smem:$0x3FDB];
	s0 =	simm.s32 @p2 $0x1  }
0x17: {  	s4 =	simm.s32 $0x1BF5;
	[smem:$0x3FB9] =	sst s0  }
0x18: {  	s0 =	sld [smem:$0x3F9C];
	_ =	swait.ge [sflag:s4], $0x0  }
0x19: {  	s7 =	sld [smem:$0x3F9D]  }
0x1a: {  	s8 =	sadd.s32 $0xFFFFE003, lr  }
0x1b: {  	s9 =	sadd.s32 $0xFFFFFEF7, lr;
	s5 =	simm.s32 $0xFFFFFFFF;
	p2 =	slt.u32 s8, $0xFFFFF086  }
0x1c: {  	p1 =	slt.u32 s9, $0xF7A;
	s5 =	simm.s32 @!p2 $0x0  }
0x1d: {  	s5 =	simm.s32 @p1 $0x1;
	p0 =	seq.s32 s7, s2  }
0x1e: {  	s7 =	smul.u32 @!p0 $0xF7A, s2;
	p2 =	seq.s32 @!p0 s5, $0x0  }
0x1f: {  	s9 =	smul.u32 $0xF7A, s1;
	s8 =	simm.s32 @!p0 $0x1BF5;
	p2 =	por !p2, p0  }
0x20: {  	[sflag:s8] =	ssyncset.s32 @!p0 $0xFFFFF086;
	s6 =	sadd.s32 @!p0 s3, s7;
	s7 =	simm.s32 @!p0 $0x108  }
0x21: {  	s3 =	sadd.s32 s3, s9;
	s6 =	sadd.s32 @!p0 $0x88, s6;
	s7 =	simm.s32 @p2 $0x1082  }
0x22: {  	[simem:s7], [sflag:s8] =	dma.local @!p0 [hbm:s6], $0xF7A  }
0x23: {  	s9 =	sor.u32 $0xD0000000, s2;
	s6 =	simm.s32 $0x108;
	_ =	swait.ge @!p0 [sflag:s8], $0x0  }
0x24: {  	s3 =	sadd.s32 $0x88, s3;
	s6 =	simm.s32 @!p1 $0x1082;
	[sflag:s4] =	ssyncset.s32 $0xFFFFF086  }
0x25: {  	[simem:s6], [sflag:s4] =	dma.local [hbm:s3], $0xF7A  }
0x26: {  	[smem:$0x3F9D] =	sst s1;
	(tag) =	ssettag s2;
	_ =	strace s9  }
0x27: {  	s1 =	sld [smem:$0x3FAD]  }
0x28: {  	s2 =	sld [smem:$0x3FAE]  }
0x29: {  	s4 =	sld [smem:$0x3FB0]  }
0x2a: {  	p0 =	seq.s32 s5, $0x0;
	s5 =	sld [smem:$0x3FB1]  }
0x2b: {  	s6 =	sld [smem:$0x3FB2]  }
0x2c: {  	s7 =	sld [smem:$0x3FB3]  }
0x2d: {  	s3 =	simm.s32 $0x108;
	s8 =	sld [smem:$0x3FB4]  }
0x2e: {  	s3 =	simm.s32 @!p0 $0x1082;
	s9 =	sld [smem:$0x3FB5]  }
0x2f: {  	lr =	sadd.s32 s0, s3;
	s0 =	sld [smem:$0x3FAC]  }
0x30: {  	s3 =	sld [smem:$0x3FAF]  }
0x31: {  	[smem:$0x3FB8] =	sst s10  }
0x32: {  	s10 =	sld [smem:$0x3FB6];
	_ =	sdelay $0x3  }
0x33: {  	p0 =	seq.s32 s10, $0x1;
	s10 =	sld [smem:$0x3FB8];
	_ =	sdelay $0x3  }
0x34: {  	[smem:$0x3FB8] =	sst s10  }
0x35: {  	s10 =	sld [smem:$0x3FB7];
	_ =	sdelay $0x3  }
0x36: {  	p1 =	seq.s32 s10, $0x1;
	s10 =	sld [smem:$0x3FB8];
	_ =	sdelay $0x3  }
0x37: {  	[smem:$0x3FB8] =	sst s10  }
0x38: {  	s10 =	sld [smem:$0x3FB9]  }
0x39: {  	_ = 	snop;
	(pc) =	sbr.ind lr, $3  }
0x3a: {  	_ = 	snop  }
0x3b: {  	_ = 	snop  }
0x3c: {  	p2 =	seq.s32 s10, $0x1;
	s10 =	sld [smem:$0x3FB8]  }
0x3d: {  	_ =	shalt  }
0x3e: {  	_ =	shalt  }
0x3f: {  	_ =	shalt  }
0x40: {  	_ =	shalt  }
0x41: {  	_ =	shalt  }
0x42: {  	_ =	shalt  }
0x43: {  	_ =	shalt  }
0x44: {  	_ =	shalt  }
0x45: {  	_ =	shalt  }
0x46: {  	_ =	shalt  }
0x47: {  	_ =	shalt  }
0x48: {  	_ =	shalt  }
0x49: {  	_ =	shalt  }
0x4a: {  	_ =	shalt  }
0x4b: {  	_ =	shalt  }
0x4c: {  	_ =	shalt  }
0x4d: {  	_ =	shalt  }
0x4e: {  	_ =	shalt  }
0x4f: {  	_ =	shalt  }
0x50: {  	_ =	shalt  }
0x51: {  	_ =	shalt  }
0x52: {  	_ =	shalt  }
0x53: {  	_ =	shalt  }
0x54: {  	_ =	shalt  }
0x55: {  	_ =	shalt  }
0x56: {  	_ =	shalt  }
0x57: {  	_ =	shalt  }
0x58: {  	_ =	shalt  }
0x59: {  	_ =	shalt  }
0x5a: {  	_ =	shalt  }
0x5b: {  	_ =	shalt  }
0x5c: {  	_ =	shalt  }
0x5d: {  	_ =	shalt  }
0x5e: {  	_ =	shalt  }
0x5f: {  	_ =	shalt  }
0x60: {  	_ =	shalt  }
0x61: {  	_ =	shalt  }
0x62: {  	_ =	shalt  }
0x63: {  	_ =	shalt  }
0x64: {  	_ =	shalt  }
0x65: {  	_ =	shalt  }
0x66: {  	_ =	shalt  }
0x67: {  	_ =	shalt  }
0x68: {  	_ =	shalt  }
0x69: {  	_ =	shalt  }
0x6a: {  	_ =	shalt  }
0x6b: {  	_ =	shalt  }
0x6c: {  	_ =	shalt  }
0x6d: {  	_ =	shalt  }
0x6e: {  	_ =	shalt  }
0x6f: {  	_ =	shalt  }
0x70: {  	_ =	shalt  }
0x71: {  	_ =	shalt  }
0x72: {  	_ =	shalt  }
0x73: {  	_ =	shalt  }
0x74: {  	_ =	shalt  }
0x75: {  	_ =	shalt  }
0x76: {  	_ =	shalt  }
0x77: {  	_ =	shalt  }
0x78: {  	_ =	shalt  }
0x79: {  	_ =	shalt  }
0x7a: {  	_ =	shalt  }
0x7b: {  	_ =	shalt  }
0x7c: {  	_ =	shalt  }
0x7d: {  	_ =	shalt  }
0x7e: {  	_ =	shalt  }
0x7f: {  	_ =	shalt  }
0x80: {  	_ =	shalt  }
0x81: {  	_ =	shalt  }
0x82: {  	_ =	shalt  }
0x83: {  	_ =	shalt  }
0x84: {  	_ =	shalt  }
0x85: {  	_ =	shalt  }
0x86: {  	_ =	shalt  }
0x87: {  	_ =	shalt  }
.Lfunc_end0:
.L_simem_size_0:
called_computation_lowered:
.L_overlay_start_0:
0x88: {  	s2 =	sld [smem:$0x3FD9]  }
0x89: {  	s3 =	sld [smem:$0x3FFE];
	_ =	sdelay $0x1  }
0x8a: {  	s1 =	srdreg.scid  }
0x8b: {  	s0 =	sand.u32 $0x1, s1  }
0x8c: {  	s18 =	sshll.u32 s0, $0xA;
	s2 =	sadd.s32 s3, s2  }
0x8d: {  	s2 =	sadd.s32 s2, s18  }
0x8e: {  	[smem:$0x3FC4] =	sst s2  }
0x8f: {  	_ = 	snop  }
0x90: {  	s2 =	sld [smem:$0x3FC8]  }
0x91: {  	s19 =	sld [smem:$0x3FD0];
	(tm) =	ssettm $0x1  }
0x92: {  	s4 =	sld [smem:$0x3FFB];
	_ =	sdelay $0x3  }
0x93: {  	_ =	strace s4  }
0x94: {  	s4 =	sld [smem:$0x3FFC];
	_ =	sdelay $0x3  }
0x95: {  	_ =	strace s4  }
0x96: {  	s4 =	sld [smem:$0x3FFD];
	_ =	sdelay $0x3  }
0x97: {  	_ =	strace s4  }
0x98: {  	_ =	strace $0x8FFFFFFF  }
0x99: {  	s20 =	sld [smem:$0x3FDB];
	_ =	sdelay $0x1  }
0x9a: {  	s5 =	simm.s32 $_scs_section_size  }
0x9b: {  	s6 =	simm.s32 $_size__tile_overlayer_lowered;
	s7 =	simm.s32 $_tile_overlayer_lowered  }
0x9c: {  	s23 =	simm.s32 $0x1BFF;
	s22 =	sshll.u32 s7, $0x1;
	s4 =	sadd.s32 s5, s20  }
0x9d: {  	s8 =	simm.s32 $0x0;
	s21 =	sshll.u32 s6, $0x1;
	s6 =	sadd.s32 s22, s4  }
0x9e: {  	[timem:s8], [sflag:s23] =	dma.local [hbm:s6], s21  }
0x9f: {  	_ =	swait.ge [sflag:s23], s21  }
0xa0: {  	s5 =	ssub.s32 $0x0, s21;
	[sflag:s23] =	ssyncset.done $0x0  }
0xa1: {  	[sflag:s23] =	ssyncadd.s32 s5;
	_ =	sdelay $0x1  }
0xa2: {  	s24 =	simm.s32 $0x1B8B  }
0xa3: {  	_ =	swait.ge [sflag:s24], $0x1  }
0xa4: {  	[sflag:s24] =	ssyncset.done $0x0  }
0xa5: {  	s25 =	simm.s32 $0x1B8E;
	[sflag:s24] =	ssyncadd.s32 $0xFFFFFFFF  }
0xa6: {  	s26 =	simm.s32 $execute0_lowered;
	[smem:$0x3FD2] =	sst s25  }
0xa7: {  	s5 =	sshll.u32 s26, $0x1;
	_ =	strace $0x80000046;
	[dreg:$0x1] =	wrdreg $0xFFFFFFFF  }
0xa8: {  	s28 =	simm.s32 $_size_execute0_lowered;
	s4 =	sadd.s32 s4, s5;
	[dreg:$0x0] =	wrdreg $0x0  }
0xa9: {  	s5 =	sshll.u32 s28, $0x1;
	[dreg:$0x2] =	wrdreg s4  }
0xaa: {  	[dreg:$0x3] =	wrdreg s5  }
0xab: {  	[dreg:$0x4] =	wrdreg $0xC0  }
0xac: {  	_ =	task [dreg:s8], $0x5FFFF  }
0xad: {  	[dreg:$0x1] =	wrdreg $0xFFFFFFFF  }
0xae: {  	[dreg:$0x0] =	wrdreg $0x60  }
0xaf: {  	[dreg:$0x2] =	wrdreg s2  }
0xb0: {  	[dreg:$0x3] =	wrdreg s19  }
0xb1: {  	[dreg:$0x4] =	wrdreg $0x2B000  }
0xb2: {  	[dreg:$0x5] =	wrdreg $0x9  }
0xb3: {  	_ =	task.clear_ibuf [dreg:s8], $0x6FFFF;
	_ =	strace $0x90000046  }
0xb4: {  	s29 =	simm.s32 $0x9;
	_ =	strace $0x80000048  }
0xb5: {  	_ =	swait.ge [sflag:s29], $0x1  }
0xb6: {  	[sflag:s29] =	ssyncadd.s32 $0xFFFFFFFF  }
0xb7: {  	_ =	strace $0x90000048  }
0xb8: {  	_ =	sfence  }
0xb9: {  	s30 =	sld [smem:$0x0];
	_ =	sdelay $0x2  }
0xba: {  	s31 =	sshll.u32 s1, $0xD;
	s1 =	sshrl.u32 s1, $0x2  }
0xbb: {  	s3 =	sand.u32 $0x4000, s31;
	s1 =	sadd.s32 s1, s30  }
0xbc: {  	s0 =	sor.u32 s3, s0;
	s1 =	sshll.u32 s1, $0x11  }
0xbd: {  	s0 =	sor.u32 s1, s0  }
0xbe: {  	s0 =	sadd.s32 $0x8F2B, s0  }
0xbf: {  	[sflag:s0] =	ssyncadd.remote.s32 $0x1  }
0xc0: {  	_ =	sfence.sel $0xFFFF  }
0xc1: {  	[dreg:$0x0] =	wrdreg $0xFFFFFFFF;
	(pc) =	sbr.abs _section_cstart, $3  }
0xc2: {  	[dreg:$0x1] =	wrdreg $0xFFFFFFFF  }
0xc3: {  	_ =	task.clear_ibuf [dreg:s8], $0x2FFFF;
	_ =	strace $0x9FFFFFFF  }
0xc4: {  	(tm) =	ssettm $0x7FFFFFFF  }
0xc5: {  	_ =	shalt  }
tec
execute0_lowered:
.L_overlay_start_1:
0x0: {  	(tag) =	ssettag $0x1  }
0x1: {  	s8 =	rddreg [dreg:$0x0]  }
0x2: {  	s6 =	rddreg [dreg:$0x1]  }
0x3: {  	s1 =	rddreg [dreg:$0x2]  }
0x4: {  	s2 =	srdreg.scid;
	s0 =	rddreg [dreg:$0x3];
	s3 =	simm.s32 $0x0  }
0x5: {  	s12 =	simm.s32 $0x80;
	s13 =	simm.s32 $0x2800;
	s14 =	simm.s32 $0x100  }
0x6: {  	s15 =	simm.s32 $0x0;
	s5 =	sand.u32 $0x1, s2;
	s2 =	stileid.u32  }
0x7: {  	[smem:$0x7FF] =	sst s3;
	s4 =	ssub.s32 $0x2, s5;
	s29 =	smul.u32 $0x500, s2  }
0x8: {  	s9 =	sshll.u32 s5, $0x4;
	_ =	strace $0x80000047;
	s10 =	smul.u32 $0xA00, s2  }
0x9: {  	s11 =	sshll.u32 s5, $0x7;
	s5 =	sshll.u32 s5, $0xC;
	s7 =	sshrl.u32 s4, $0x1  }
0xa: {  	s30 =	sshll.u32 s2, $0x8;
	s28 =	sor.u32 s2, s9;
	s7 =	ssub.s32 s4, s7  }
0xb: {  	p0 =	slt.u32 s28, $0x4;
	s4 =	simm.s32 $0x4F;
	s9 =	sor.u32 s11, s29  }
0xc: {  	s10 =	sshrl.u32 s10, $0x2;
	s11 =	sor.u32 s30, s5;
	s4 =	simm.s32 @!p0 $0x4E  }
0xd: {  	s9 =	sshrl.u32 s9, $0x3;
	s5 =	sadd.s32 s10, s1;
	s31 =	sshrl.u32 s11, $0x3  }
0xe: {  	s7 =	smax.u32 s7, $0x1;
	s10 =	simm.s32 $0x2;
	s11 =	simm.s32 $0x1  }
0xf: {  	v0 =	vimm.f32 $1.000000000e+00;
	v1 =	vimm.f32 $0.0e+00;
	s6 =	sadd.s32 s6, s9;
	s8 =	sadd.s32 s31, s8;
	s9 =	simm.s32 $0x2880  }
.LBB2_1:
0x10: {  	[tilespmem:$0x2800] =	vst v0  }
0x11: {  	[tilespmem:$0x2810] =	vst v0  }
0x12: {  	[tilespmem:$0x2820] =	vst v0  }
0x13: {  	[tilespmem:$0x2830] =	vst v0  }
0x14: {  	[tilespmem:$0x2840] =	vst v0  }
0x15: {  	[tilespmem:$0x2850] =	vst v0  }
0x16: {  	[tilespmem:$0x2860] =	vst v0  }
0x17: {  	[tilespmem:$0x2870] =	vst v0  }
0x18: {  	[tilespmem:$0x2880] =	vst v1  }
0x19: {  	[tilespmem:$0x2890] =	vst v1  }
0x1a: {  	[tilespmem:$0x28A0] =	vst v1  }
0x1b: {  	[tilespmem:$0x28B0] =	vst v1  }
0x1c: {  	[tilespmem:$0x28C0] =	vst v1  }
0x1d: {  	[tilespmem:$0x28D0] =	vst v1  }
0x1e: {  	[tilespmem:$0x28E0] =	vst v1  }
0x1f: {  	[tilespmem:$0x28F0] =	vst v1  }
0x20: {  	[tilespmem:$0x2900] =	vst v1  }
0x21: {  	[tilespmem:$0x2910] =	vst v1  }
0x22: {  	[tilespmem:$0x2920] =	vst v1  }
0x23: {  	[tilespmem:$0x2930] =	vst v1  }
0x24: {  	[tilespmem:$0x2940] =	vst v1  }
0x25: {  	[tilespmem:$0x2950] =	vst v1  }
0x26: {  	[tilespmem:$0x2960] =	vst v1  }
0x27: {  	[tilespmem:$0x2970] =	vst v1  }
0x28: {  	[tilespmem:$0x2980] =	vst v1  }
0x29: {  	[tilespmem:$0x2990] =	vst v1  }
0x2a: {  	[tilespmem:$0x29A0] =	vst v1  }
0x2b: {  	[tilespmem:$0x29B0] =	vst v1  }
0x2c: {  	[tilespmem:$0x29C0] =	vst v1  }
0x2d: {  	[tilespmem:$0x29D0] =	vst v1  }
0x2e: {  	[tilespmem:$0x29E0] =	vst v1  }
0x2f: {  	[tilespmem:$0x29F0] =	vst v1  }
0x30: {  	[tilespmem:$0x2A00] =	vst v1  }
0x31: {  	[tilespmem:$0x2A10] =	vst v1  }
0x32: {  	[tilespmem:$0x2A20] =	vst v1  }
0x33: {  	[tilespmem:$0x2A30] =	vst v1  }
0x34: {  	[tilespmem:$0x2A40] =	vst v1  }
0x35: {  	[tilespmem:$0x2A50] =	vst v1  }
0x36: {  	[tilespmem:$0x2A60] =	vst v1  }
0x37: {  	[tilespmem:$0x2A70] =	vst v1  }
0x38: {  	[tilespmem:$0x2A80] =	vst v1  }
0x39: {  	[tilespmem:$0x2A90] =	vst v1  }
0x3a: {  	[tilespmem:$0x2AA0] =	vst v1  }
0x3b: {  	[tilespmem:$0x2AB0] =	vst v1  }
0x3c: {  	[tilespmem:$0x2AC0] =	vst v1  }
0x3d: {  	[tilespmem:$0x2AD0] =	vst v1  }
0x3e: {  	[tilespmem:$0x2AE0] =	vst v1  }
0x3f: {  	[tilespmem:$0x2AF0] =	vst v1;
	p0 =	sne.s32 s4, $0x1  }
0x40: {  	[spmem:s5] =	stream.linear.scatter [tilespmem:s9], [sflag:$0x2], $0x280, $0x38;
	[tilespmem:$0x2D80] =	vst v63  }
.Ltmp0:
0x41: {  	_ = 	snop;
	(pc) =	sbr.rel @!p0 .LBB2_3-.Ltmp0, $4  }
0x42: {  	_ =	swait.ge [sflag:s10], $0x280  }
0x43: {  	s16 =	sadd.s32 $0xFFFFFFFF, s4;
	[sflag:s10] =	ssyncset.done $0x0  }
0x44: {  	s17 =	smov.u32 s8;
	s18 =	simm.s32 $0x0;
	[sflag:s10] =	ssyncadd.s32 $0xFFFFFD80  }
0x45: {  	[tilespmem:s3], [sflag:$0x1] =	stream.linear.gather [hbm4b:s8+s3], $0x80, $0x38;
	[tilespmem:$0x2D80] =	vst v63  }
.LBB2_2:
0x46: {  	p1 =	sne.s32 s16, $0x1  }
.Ltmp1:
0x47: {  	_ = 	snop;
	(pc) =	sbr.rel @p1 .LBB2_2-.Ltmp1, $4  }
0x48: {  	_ = 	snop  }
0x49: {  	s17 =	sadd.s32 $0x400, s17;
	s18 =	sadd.s32 $0x80, s18  }
0x4a: {  	s16 =	sadd.s32 $0xFFFFFFFF, s16  }
0x4b: {  	[tilespmem:s18], [sflag:$0x1] =	stream.linear.gather [hbm4b:s17+s3], $0x80, $0x38;
	[tilespmem:$0x2D80] =	vst v63  }
.LBB2_3:
.Ltmp2:
0x4c: {  	(pc) =	sbr.rel @!p0 .LBB2_5-.Ltmp2, $3  }
0x4d: {  	_ =	sdelay $0x1  }
0x4e: {  	_ =	swait.ge [sflag:s11], $0x80  }
0x4f: {  	s16 =	sadd.s32 $0xFFFFFFFF, s4;
	[sflag:s11] =	ssyncset.done $0x0  }
.LBB2_4:
0x50: {  	p1 =	sne.s32 s16, $0x1;
	s16 =	sadd.s32 $0xFFFFFFFF, s16;
	[sflag:s11] =	ssyncadd.s32 $0xFFFFFF80  }
.Ltmp3:
0x51: {  	(pc) =	sbr.rel @p1 .LBB2_4-.Ltmp3, $3  }
0x52: {  	_ =	sdelay $0x1  }
0x53: {  	_ =	swait.ge [sflag:s11], $0x80  }
0x54: {  	[sflag:s11] =	ssyncset.done $0x0  }
.LBB2_5:
.Ltmp4:
0x55: {  	(pc) =	sbr.rel @!p0 .LBB2_7-.Ltmp4, $4  }
0x56: {  	_ = 	snop  }
0x57: {  	[sflag:s11] =	ssyncadd.s32 $0xFFFFFF80  }
0x58: {  	s16 =	simm.s32 $0x0;
	s17 =	sadd.s32 $0xFFFFFFFF, s4;
	[bflag:$0x0] =	sbarrier.arrive $0xFFFF  }
0x59: {  	[spmem:s1] =	stream.indirect.scatter.add.f32 [tilespmem:s13], [sflag:$0x1], $0x1, s16, s12, $0xb8;
	[tilespmem:$0x2D80] =	vst v63  }
.LBB2_6:
0x5a: {  	p1 =	sne.s32 s17, $0x1  }
.Ltmp5:
0x5b: {  	_ = 	snop;
	(pc) =	sbr.rel @p1 .LBB2_6-.Ltmp5, $3  }
0x5c: {  	_ = 	snop  }
0x5d: {  	s17 =	sadd.s32 $0xFFFFFFFF, s17;
	s16 =	sadd.s32 $0x80, s16;
	_ =	sdelay $0x1  }
0x5e: {  	[spmem:s1] =	stream.indirect.scatter.add.f32 [tilespmem:s13], [sflag:$0x1], $0x1, s16, s12, $0xb8;
	[tilespmem:$0x2D80] =	vst v63  }
.LBB2_7:
.Ltmp6:
0x5f: {  	(pc) =	sbr.rel @!p0 .LBB2_9-.Ltmp6, $3  }
0x60: {  	_ =	sdelay $0x1  }
0x61: {  	_ =	swait.ge [sflag:s11], $0x80  }
0x62: {  	s16 =	sadd.s32 $0xFFFFFFFF, s4;
	[sflag:s11] =	ssyncset.done $0x0  }
.LBB2_8:
0x63: {  	p0 =	sne.s32 s16, $0x1;
	s16 =	sadd.s32 $0xFFFFFFFF, s16;
	[sflag:s11] =	ssyncadd.s32 $0xFFFFFF80  }
.Ltmp7:
0x64: {  	(pc) =	sbr.rel @p0 .LBB2_8-.Ltmp7, $3  }
0x65: {  	_ =	sdelay $0x1  }
0x66: {  	_ =	swait.ge [sflag:s11], $0x80  }
0x67: {  	[sflag:s11] =	ssyncset.done $0x0  }
.LBB2_9:
0x68: {  	[sflag:s11] =	ssyncadd.s32 $0xFFFFFF80  }
0x69: {  	[bflag:$0x0] =	sbarrier.arrive $0xFFFF  }
0x6a: {  	[tilespmem:s9], [sflag:$0x2] =	stream.linear.gather [spmem:s5], $0x280, $0x38;
	[tilespmem:$0x2D80] =	vst v63  }
0x6b: {  	s15 =	sadd.s32 $0x1, s15;
	_ =	swait.ge [sflag:s10], $0x280  }
0x6c: {  	p0 =	sne.s32 s15, s7;
	[sflag:s10] =	ssyncset.done $0x0  }
.Ltmp8:
0x6d: {  	[sflag:s10] =	ssyncadd.s32 $0xFFFFFD80;
	(pc) =	sbr.rel @p0 .LBB2_1-.Ltmp8, $4  }
0x6e: {  	[hbm4b:s6+s12] =	stream.strided.scatter [tilespmem:s9], [sflag:$0x2], $0x280, s14, s12, $0x38;
	[tilespmem:$0x2D80] =	vst v63  }
0x6f: {  	_ =	swait.ge [sflag:s10], $0x280  }
0x70: {  	[sflag:s10] =	ssyncset.done $0x0  }
0x71: {  	[sflag:s10] =	ssyncadd.s32 $0xFFFFFD80  }
0x72: {  	_ =	sfence.sel $0x180000  }
0x73: {  	[bflag:$0x0] =	sbarrier.arrive $0xFFFF  }
0x74: {  	p0 =	sne.s32 s2, $0x0;
	_ =	strace $0x90000047  }
0x75: {  	s0 =	sadd.s32 @!p0 $0x100000, s0;
	[bflag:$0x2] =	sbarrier.arrive $0xFFFF  }
0x76: {  	[sflag:s0] =	ssyncadd.tile.s32 @!p0 $0x1;
	_ =	shalt  }
.Lfunc_end2:
_tile_overlayer_lowered:
.L_overlay_start_2:
0x77: {  	(tag) =	ssettag $0x2  }
0x78: {  	s0 =	rddreg [dreg:$0x0];
	s2 =	stileid.u32  }
0x79: {  	s1 =	rddreg [dreg:$0x1];
	p0 =	sne.s32 s2, $0x0  }
0x7a: {  	s3 =	rddreg [dreg:$0x2];
	[bflag:$0x3] =	sbarrier.arrive $0xFFFF;
	s2 =	simm.s32 @!p0 $0x1C02  }
0x7b: {  	[timem:s3], [sflag:s2] =	dma.local @!p0 [hbm:s0], s1  }
0x7c: {  	s0 =	simm.s32 @!p0 $0x2  }
0x7d: {  	_ =	swait.ge @!p0 [sflag:s0], s1  }
0x7e: {  	s1 =	ssub.s32 @!p0 $0x0, s1;
	[sflag:s0] =	ssyncset.done @!p0 $0x0  }
0x7f: {  	[sflag:s0] =	ssyncadd.s32 @!p0 s1  }
0x80: {  	[bflag:$0x3] =	sbarrier.arrive $0xFFFF  }
0x81: {  	_ =	shalt  }

</sc_bundles>
